<compile_context>
chip_gen: v7x
topology: tpu7x:2x2x1
jax: 0.10.2.dev20260603
libtpu: 0.0.44.dev20260713+nightly
codegen_flags: <defaults>
</compile_context>

<pallas_src>
import functools

import jax
import jax.numpy as jnp
from jax import lax
from jax.experimental import pallas as pl
from jax.experimental.pallas import tpu as pltpu
from jax.experimental.pallas import tpu_sc as plsc

N_NODES = 10000
D = 128
N_EDGES = 320000

NC = 2
NS = 16
NW = NC * NS

NPAD = 10240
ROWS_PER_TILE = NPAD // NS

CHUNK = 128
E2 = 2 * N_EDGES
STEPS = -(-E2 // (NW * CHUNK))
E_PAD = NW * STEPS * CHUNK
EDGES_PER_TILE = STEPS * CHUNK

_mesh = plsc.VectorSubcoreMesh(core_axis_name="c", subcore_axis_name="s")


@functools.partial(
    pl.kernel,
    out_type=jax.ShapeDtypeStruct((NC, NPAD), jnp.float32),
    mesh=_mesh,
    scratch_types=[
        pltpu.VMEM_SHARED((NPAD,), jnp.float32),
        pltpu.VMEM((CHUNK,), jnp.int32),
        pltpu.VMEM((CHUNK,), jnp.float32),
    ],
)
def _sc_degree(col_hbm, zeros1_hbm, deg_out, deg_sh, cidx_v, ones_v):
    c = lax.axis_index("c")
    s = lax.axis_index("s")
    wid = c * NS + s
    for j in range(CHUNK // 16):
        ones_v[pl.ds(16 * j, 16)] = jnp.ones((16,), jnp.float32)
    pltpu.sync_copy(zeros1_hbm.at[pl.ds(s * ROWS_PER_TILE, ROWS_PER_TILE)],
                    deg_sh.at[pl.ds(s * ROWS_PER_TILE, ROWS_PER_TILE)])
    plsc.subcore_barrier()

    def step(i, carry):
        b = wid * EDGES_PER_TILE + i * CHUNK
        pltpu.sync_copy(col_hbm.at[pl.ds(b, CHUNK)], cidx_v)
        pltpu.sync_copy(ones_v, deg_sh.at[cidx_v], add=True)
        return carry

    lax.fori_loop(0, STEPS, step, 0)
    plsc.subcore_barrier()
    pltpu.sync_copy(deg_sh.at[pl.ds(s * ROWS_PER_TILE, ROWS_PER_TILE)],
                    deg_out.at[c, pl.ds(s * ROWS_PER_TILE, ROWS_PER_TILE)])


@functools.partial(
    pl.kernel,
    out_type=jax.ShapeDtypeStruct((NC, NPAD, D), jnp.float32),
    mesh=_mesh,
    scratch_types=[
        pltpu.VMEM_SHARED((NPAD, D), jnp.float32),
        pltpu.VMEM((CHUNK,), jnp.int32),
        pltpu.VMEM((CHUNK,), jnp.int32),
        pltpu.VMEM((CHUNK, D), jnp.float32),
        pltpu.SemaphoreType.DMA,
    ],
)
def _sc_propagate(y_hbm, row_hbm, col_hbm, zeros2_hbm, z_out,
                  acc_sh, ridx_v, cidx_v, rows_v, sem):
    c = lax.axis_index("c")
    s = lax.axis_index("s")
    wid = c * NS + s
    pltpu.sync_copy(zeros2_hbm.at[pl.ds(s * ROWS_PER_TILE, ROWS_PER_TILE)],
                    acc_sh.at[pl.ds(s * ROWS_PER_TILE, ROWS_PER_TILE)])
    plsc.subcore_barrier()

    def step(i, carry):
        b = wid * EDGES_PER_TILE + i * CHUNK
        pltpu.sync_copy(row_hbm.at[pl.ds(b, CHUNK)], ridx_v)
        pltpu.sync_copy(col_hbm.at[pl.ds(b, CHUNK)], cidx_v)
        pltpu.async_copy(y_hbm.at[ridx_v], rows_v, sem).wait()
        pltpu.sync_copy(rows_v, acc_sh.at[cidx_v], add=True)
        return carry

    lax.fori_loop(0, STEPS, step, 0)
    plsc.subcore_barrier()
    pltpu.sync_copy(acc_sh.at[pl.ds(s * ROWS_PER_TILE, ROWS_PER_TILE)],
                    z_out.at[c, pl.ds(s * ROWS_PER_TILE, ROWS_PER_TILE)])


_GRID = 8
_RB = NPAD // _GRID


def _tc_norm_body(dp_ref, x_ref, dis_ref, y0_ref):
    deg = dp_ref[0] + dp_ref[1]
    dis = jnp.where(deg > 0.0, lax.rsqrt(deg), 0.0)
    dis_ref[...] = dis
    y0_ref[...] = x_ref[...] * dis


_tc_norm = pl.pallas_call(
    _tc_norm_body,
    grid=(_GRID,),
    in_specs=[
        pl.BlockSpec((2, _RB, 1), lambda i: (0, i, 0)),
        pl.BlockSpec((_RB, D), lambda i: (i, 0)),
    ],
    out_specs=[
        pl.BlockSpec((_RB, 1), lambda i: (i, 0)),
        pl.BlockSpec((_RB, D), lambda i: (i, 0)),
    ],
    out_shape=[
        jax.ShapeDtypeStruct((NPAD, 1), jnp.float32),
        jax.ShapeDtypeStruct((NPAD, D), jnp.float32),
    ],
)


def _tc_mid_body(zp_ref, dis_ref, x_ref, y1_ref, acc_ref):
    d = dis_ref[...]
    x1 = (zp_ref[0] + zp_ref[1]) * d
    y1_ref[...] = x1 * d
    acc_ref[...] = x_ref[...] + x1


_tc_mid = pl.pallas_call(
    _tc_mid_body,
    grid=(_GRID,),
    in_specs=[
        pl.BlockSpec((2, _RB, D), lambda i: (0, i, 0)),
        pl.BlockSpec((_RB, 1), lambda i: (i, 0)),
        pl.BlockSpec((_RB, D), lambda i: (i, 0)),
    ],
    out_specs=[
        pl.BlockSpec((_RB, D), lambda i: (i, 0)),
        pl.BlockSpec((_RB, D), lambda i: (i, 0)),
    ],
    out_shape=[
        jax.ShapeDtypeStruct((NPAD, D), jnp.float32),
        jax.ShapeDtypeStruct((NPAD, D), jnp.float32),
    ],
)


def _tc_final_body(zp_ref, dis_ref, acc_ref, out_ref):
    x2 = (zp_ref[0] + zp_ref[1]) * dis_ref[...]
    out_ref[...] = (acc_ref[...] + x2) * jnp.float32(1.0 / 3.0)


_tc_final = pl.pallas_call(
    _tc_final_body,
    grid=(_GRID,),
    in_specs=[
        pl.BlockSpec((2, _RB, D), lambda i: (0, i, 0)),
        pl.BlockSpec((_RB, 1), lambda i: (i, 0)),
        pl.BlockSpec((_RB, D), lambda i: (i, 0)),
    ],
    out_specs=pl.BlockSpec((_RB, D), lambda i: (i, 0)),
    out_shape=jax.ShapeDtypeStruct((NPAD, D), jnp.float32),
)


def kernel(x, adj_t):
    adj = adj_t.astype(jnp.int32)
    pad_idx = jnp.full((E_PAD - E2,), N_NODES, jnp.int32)
    row = jnp.concatenate([adj[0], adj[1], pad_idx])
    col = jnp.concatenate([adj[1], adj[0], pad_idx])
    x_p = jnp.pad(x, ((0, NPAD - N_NODES), (0, 0)))
    zeros1 = jnp.zeros((NPAD,), jnp.float32)
    zeros2 = jnp.zeros((NPAD, D), jnp.float32)

    deg_parts = _sc_degree(col, zeros1)
    dis, y0 = _tc_norm(deg_parts.reshape(NC, NPAD, 1), x_p)

    z1 = _sc_propagate(y0, row, col, zeros2)
    y1, acc = _tc_mid(z1, dis, x_p)

    z2 = _sc_propagate(y1, row, col, zeros2)
    out = _tc_final(z2, dis, acc)
    return out[:N_NODES]

# --- scband reference (transcript-rebuilt; emitter-appended) ---
"""Pipeline reference for scband-light-gcn-32074815766831 (READ-ONLY COPY).

The authoritative reference and input builder live on the scoring server;
editing this copy changes nothing except your own understanding.
"""

import jax, jax.numpy as jnp
import numpy as np

NUM_LAYERS = 3
N_NODES = 10000
D_FEAT = 128
N_EDGES = 320000

def setup_inputs(seed: int = 0) -> dict:
    key = jax.random.key(seed)
    k1, k2 = jax.random.split(key)
    x = jax.random.normal(k1, (N_NODES, D_FEAT), dtype=jnp.float32)
    adj_t = jax.random.randint(k2, (2, N_EDGES), 0, N_NODES, dtype=jnp.int64)
    return {"x": x, "adj_t": adj_t}

def gcn_norm(edge_index, num_nodes):
    row = edge_index[0]
    col = edge_index[1]
    edge_weight = jnp.ones((edge_index.shape[1],), dtype=jnp.float32)
    deg = jnp.zeros((num_nodes,), dtype=jnp.float32).at[col].add(edge_weight)
    deg_inv_sqrt = deg ** (-0.5)
    deg_inv_sqrt = jnp.where(jnp.isinf(deg_inv_sqrt), 0.0, deg_inv_sqrt)
    return edge_index, deg_inv_sqrt[row] * edge_weight * deg_inv_sqrt[col]

def reference(x, adj_t):
    # undirected: append reversed edges
    adj_t_reversed = adj_t[jnp.array([1, 0]), :]
    adj_full = jnp.concatenate([adj_t, adj_t_reversed], axis=1)
    num_nodes = x.shape[0]
    edge_index, edge_weight = gcn_norm(adj_full, num_nodes)
    row = edge_index[0]
    col = edge_index[1]
    out_ls = []
    for _ in range(NUM_LAYERS):
        out_ls.append(x)
        # message: edge_weight * x_j (x_j = x[row]); aggregate (sum) at col
        msg = edge_weight[:, None] * x[row]
        x = jnp.zeros_like(x).at[col].add(msg)
    return jnp.stack(out_ls).mean(axis=0)

if __name__ == "__main__":
    import jax
    _d = setup_inputs()
    print(jax.jit(kernel)(*tuple(_d.values())))

</pallas_src>

<mosaic_0001>
#map = affine_map<(d0, d1) -> (0, 0)>
#map1 = affine_map<(d0, d1) -> (0)>
#map2 = affine_map<(d0, d1) -> (0, 0, 0)>
module attributes {stable_mosaic.version = 14 : i64} {
  func.func @_sc_propagate(%arg0: i32, %arg1: i32, %arg2: memref<10240x128xf32, #tpu.memory_space<hbm>>, %arg3: memref<643072xi32, #tpu.memory_space<hbm>>, %arg4: memref<643072xi32, #tpu.memory_space<hbm>>, %arg5: memref<10240x128xf32, #tpu.memory_space<hbm>>, %arg6: memref<2x10240x128xf32, #tpu.memory_space<hbm>>, %arg7: memref<10240x128xf32, #tpu.memory_space<vmem_shared>>, %arg8: memref<128xi32, #tpu.memory_space<vmem>>, %arg9: memref<128xi32, #tpu.memory_space<vmem>>, %arg10: memref<128x128xf32, #tpu.memory_space<vmem>>, %arg11: memref<!tpu.dma_semaphore, #tpu.memory_space<semaphore_mem>>) attributes {dimension_semantics = [#tpu.dimension_semantics<core_parallel>, #tpu.dimension_semantics<subcore_parallel>], iteration_bounds = array<i64: 2, 16>, scalar_prefetch = 0 : i64, scratch_operands = 5 : i64, tpu.core_type = #tpu.core_type<sc_vector_subcore>, window_params = [{transform_indices = #map}, {transform_indices = #map1}, {transform_indices = #map1}, {transform_indices = #map}, {transform_indices = #map2}]} {
    %mul3A = arith.constant 16 : i32
    %mul3A_0 = arith.muli %arg0, %mul3A : i32
    %add3A = arith.addi %mul3A_0, %arg1 : i32
    %mul3A_1 = arith.constant 640 : i32
    %mul3A_2 = arith.muli %arg1, %mul3A_1 : i32
    %mul3A_3 = arith.constant 640 : i32
    %mul3A_4 = arith.muli %arg1, %mul3A_3 : i32
    "tpu.region"() ({
      %run_scoped3A = tpu.sem_alloc : memref<!tpu.dma_semaphore, #tpu.memory_space<semaphore_mem>>
      %dma_start3A = arith.constant 0 : i32
      %dma_start3A_15 = tpu.memref_slice %arg7[%mul3A_4, %dma_start3A] : memref<10240x128xf32, #tpu.memory_space<vmem_shared>> -> memref<640x128xf32, #tpu.memory_space<vmem_shared>>
      %dma_start3A_16 = arith.constant 0 : i32
      %dma_start3A_17 = tpu.memref_slice %arg5[%mul3A_2, %dma_start3A_16] : memref<10240x128xf32, #tpu.memory_space<hbm>> -> memref<640x128xf32, #tpu.memory_space<hbm>>
      tpu.enqueue_dma source(%dma_start3A_17 : memref<640x128xf32, #tpu.memory_space<hbm>>) target(%dma_start3A_15 : memref<640x128xf32, #tpu.memory_space<vmem_shared>>) target_semaphore(%run_scoped3A : memref<!tpu.dma_semaphore, #tpu.memory_space<semaphore_mem>>)
      %dma_wait3A = arith.constant 0 : i32
      %dma_wait3A_18 = tpu.memref_slice %arg7[%mul3A_4, %dma_wait3A] : memref<10240x128xf32, #tpu.memory_space<vmem_shared>> -> memref<640x128xf32, #tpu.memory_space<vmem_shared>>
      %dma_wait3A_19 = arith.constant 0 : i32
      %dma_wait3A_20 = tpu.memref_slice %arg5[%mul3A_2, %dma_wait3A_19] : memref<10240x128xf32, #tpu.memory_space<hbm>> -> memref<640x128xf32, #tpu.memory_space<hbm>>
      tpu.wait_dma2 semaphore(%run_scoped3A : memref<!tpu.dma_semaphore, #tpu.memory_space<semaphore_mem>>) src(%dma_wait3A_20 : memref<640x128xf32, #tpu.memory_space<hbm>>) dst(%dma_wait3A_18 : memref<640x128xf32, #tpu.memory_space<vmem_shared>>)
      tpu.yield
    }) : () -> ()
    %barrier3A = arith.constant 0 : index
    tpu.barrier barrier_id(%barrier3A)
    %scan3A = arith.constant 0 : i32
    %scan3A_5 = arith.constant 0 : i32
    %scan3A_6 = arith.constant 157 : i32
    %scan3A_7 = arith.addi %scan3A_5, %scan3A_6 : i32
    %scan3A_8 = arith.constant 1 : i32
    scf.for %scan3A_15 = %scan3A_5 to %scan3A_7 step %scan3A_8  : i32 {
      %mul3A_16 = arith.constant 20096 : i32
      %mul3A_17 = arith.muli %add3A, %mul3A_16 : i32
      %mul3A_18 = arith.constant 128 : i32
      %mul3A_19 = arith.muli %scan3A_15, %mul3A_18 : i32
      %add3A_20 = arith.addi %mul3A_17, %mul3A_19 : i32
      "tpu.region"() ({
        %run_scoped3A = tpu.sem_alloc : memref<!tpu.dma_semaphore, #tpu.memory_space<semaphore_mem>>
        %dma_start3A_25 = tpu.memref_slice %arg3[%add3A_20] : memref<643072xi32, #tpu.memory_space<hbm>> -> memref<128xi32, #tpu.memory_space<hbm>>
        %dma_start3A_26 = tpu.memref_slice %arg3[%add3A_20] : memref<643072xi32, #tpu.memory_space<hbm>> -> memref<128xi32, #tpu.memory_space<hbm>>
        tpu.enqueue_dma source(%dma_start3A_26 : memref<128xi32, #tpu.memory_space<hbm>>) target(%arg8 : memref<128xi32, #tpu.memory_space<vmem>>) target_semaphore(%run_scoped3A : memref<!tpu.dma_semaphore, #tpu.memory_space<semaphore_mem>>)
        %dma_wait3A_27 = tpu.memref_slice %arg3[%add3A_20] : memref<643072xi32, #tpu.memory_space<hbm>> -> memref<128xi32, #tpu.memory_space<hbm>>
        %dma_wait3A_28 = tpu.memref_slice %arg3[%add3A_20] : memref<643072xi32, #tpu.memory_space<hbm>> -> memref<128xi32, #tpu.memory_space<hbm>>
        tpu.wait_dma2 semaphore(%run_scoped3A : memref<!tpu.dma_semaphore, #tpu.memory_space<semaphore_mem>>) src(%dma_wait3A_28 : memref<128xi32, #tpu.memory_space<hbm>>) dst(%arg8 : memref<128xi32, #tpu.memory_space<vmem>>)
        tpu.yield
      }) : () -> ()
      "tpu.region"() ({
        %run_scoped3A = tpu.sem_alloc : memref<!tpu.dma_semaphore, #tpu.memory_space<semaphore_mem>>
        %dma_start3A_25 = tpu.memref_slice %arg4[%add3A_20] : memref<643072xi32, #tpu.memory_space<hbm>> -> memref<128xi32, #tpu.memory_space<hbm>>
        %dma_start3A_26 = tpu.memref_slice %arg4[%add3A_20] : memref<643072xi32, #tpu.memory_space<hbm>> -> memref<128xi32, #tpu.memory_space<hbm>>
        tpu.enqueue_dma source(%dma_start3A_26 : memref<128xi32, #tpu.memory_space<hbm>>) target(%arg9 : memref<128xi32, #tpu.memory_space<vmem>>) target_semaphore(%run_scoped3A : memref<!tpu.dma_semaphore, #tpu.memory_space<semaphore_mem>>)
        %dma_wait3A_27 = tpu.memref_slice %arg4[%add3A_20] : memref<643072xi32, #tpu.memory_space<hbm>> -> memref<128xi32, #tpu.memory_space<hbm>>
        %dma_wait3A_28 = tpu.memref_slice %arg4[%add3A_20] : memref<643072xi32, #tpu.memory_space<hbm>> -> memref<128xi32, #tpu.memory_space<hbm>>
        tpu.wait_dma2 semaphore(%run_scoped3A : memref<!tpu.dma_semaphore, #tpu.memory_space<semaphore_mem>>) src(%dma_wait3A_28 : memref<128xi32, #tpu.memory_space<hbm>>) dst(%arg9 : memref<128xi32, #tpu.memory_space<vmem>>)
        tpu.yield
      }) : () -> ()
      %dma_start3A = arith.constant 0 : i32
      %dma_start3A_21 = arith.constant 0 : i32
      %dma_start3A_22 = tpu.memref_slice %arg2[%dma_start3A, %dma_start3A_21] : memref<10240x128xf32, #tpu.memory_space<hbm>> -> memref<10240x128xf32, #tpu.memory_space<hbm>>
      tpu.enqueue_indirect_dma source(%dma_start3A_22 : memref<10240x128xf32, #tpu.memory_space<hbm>>) target(%arg10 : memref<128x128xf32, #tpu.memory_space<vmem>>) offsets(%arg8 : memref<128xi32, #tpu.memory_space<vmem>>) semaphore(%arg11 : memref<!tpu.dma_semaphore, #tpu.memory_space<semaphore_mem>>)
      %dma_wait3A = arith.constant 0 : i32
      %dma_wait3A_23 = arith.constant 0 : i32
      %dma_wait3A_24 = tpu.memref_slice %arg2[%dma_wait3A, %dma_wait3A_23] : memref<10240x128xf32, #tpu.memory_space<hbm>> -> memref<10240x128xf32, #tpu.memory_space<hbm>>
      tpu.wait_indirect_dma semaphore(%arg11 : memref<!tpu.dma_semaphore, #tpu.memory_space<semaphore_mem>>) src(%dma_wait3A_24 : memref<10240x128xf32, #tpu.memory_space<hbm>>) dst(%arg10 : memref<128x128xf32, #tpu.memory_space<vmem>>)
      "tpu.region"() ({
        %run_scoped3A = tpu.sem_alloc : memref<!tpu.dma_semaphore, #tpu.memory_space<semaphore_mem>>
        %dma_start3A_25 = arith.constant 0 : i32
        %dma_start3A_26 = arith.constant 0 : i32
        %dma_start3A_27 = tpu.memref_slice %arg7[%dma_start3A_25, %dma_start3A_26] : memref<10240x128xf32, #tpu.memory_space<vmem_shared>> -> memref<10240x128xf32, #tpu.memory_space<vmem_shared>>
        tpu.enqueue_indirect_dma source(%arg10 : memref<128x128xf32, #tpu.memory_space<vmem>>) target(%dma_start3A_27 : memref<10240x128xf32, #tpu.memory_space<vmem_shared>>) offsets(%arg9 : memref<128xi32, #tpu.memory_space<vmem>>) semaphore(%run_scoped3A : memref<!tpu.dma_semaphore, #tpu.memory_space<semaphore_mem>>) {add = true}
        %dma_wait3A_28 = arith.constant 0 : i32
        %dma_wait3A_29 = arith.constant 0 : i32
        %dma_wait3A_30 = tpu.memref_slice %arg7[%dma_wait3A_28, %dma_wait3A_29] : memref<10240x128xf32, #tpu.memory_space<vmem_shared>> -> memref<10240x128xf32, #tpu.memory_space<vmem_shared>>
        tpu.wait_indirect_dma semaphore(%run_scoped3A : memref<!tpu.dma_semaphore, #tpu.memory_space<semaphore_mem>>) src(%arg10 : memref<128x128xf32, #tpu.memory_space<vmem>>) dst(%dma_wait3A_30 : memref<10240x128xf32, #tpu.memory_space<vmem_shared>>)
        tpu.yield
      }) : () -> ()
    }
    %scan3A_9 = arith.constant 157 : i32
    %barrier3A_10 = arith.constant 0 : index
    tpu.barrier barrier_id(%barrier3A_10)
    %mul3A_11 = arith.constant 640 : i32
    %mul3A_12 = arith.muli %arg1, %mul3A_11 : i32
    %mul3A_13 = arith.constant 640 : i32
    %mul3A_14 = arith.muli %arg1, %mul3A_13 : i32
    "tpu.region"() ({
      %run_scoped3A = tpu.sem_alloc : memref<!tpu.dma_semaphore, #tpu.memory_space<semaphore_mem>>
      %dma_start3A = arith.constant 0 : i32
      %dma_start3A_15 = tpu.memref_slice %arg6[%arg0, %mul3A_14, %dma_start3A] : memref<2x10240x128xf32, #tpu.memory_space<hbm>> -> memref<1x640x128xf32, #tpu.memory_space<hbm>>
      %dma_start3A_16 = tpu.memref_squeeze %dma_start3A_15 : memref<1x640x128xf32, #tpu.memory_space<hbm>> -> memref<640x128xf32, #tpu.memory_space<hbm>>
      %dma_start3A_17 = arith.constant 0 : i32
      %dma_start3A_18 = tpu.memref_slice %arg7[%mul3A_12, %dma_start3A_17] : memref<10240x128xf32, #tpu.memory_space<vmem_shared>> -> memref<640x128xf32, #tpu.memory_space<vmem_shared>>
      tpu.enqueue_dma source(%dma_start3A_18 : memref<640x128xf32, #tpu.memory_space<vmem_shared>>) target(%dma_start3A_16 : memref<640x128xf32, #tpu.memory_space<hbm>>) target_semaphore(%run_scoped3A : memref<!tpu.dma_semaphore, #tpu.memory_space<semaphore_mem>>)
      %dma_wait3A = arith.constant 0 : i32
      %dma_wait3A_19 = tpu.memref_slice %arg6[%arg0, %mul3A_14, %dma_wait3A] : memref<2x10240x128xf32, #tpu.memory_space<hbm>> -> memref<1x640x128xf32, #tpu.memory_space<hbm>>
      %dma_wait3A_20 = tpu.memref_squeeze %dma_wait3A_19 : memref<1x640x128xf32, #tpu.memory_space<hbm>> -> memref<640x128xf32, #tpu.memory_space<hbm>>
      %dma_wait3A_21 = arith.constant 0 : i32
      %dma_wait3A_22 = tpu.memref_slice %arg7[%mul3A_12, %dma_wait3A_21] : memref<10240x128xf32, #tpu.memory_space<vmem_shared>> -> memref<640x128xf32, #tpu.memory_space<vmem_shared>>
      tpu.wait_dma2 semaphore(%run_scoped3A : memref<!tpu.dma_semaphore, #tpu.memory_space<semaphore_mem>>) src(%dma_wait3A_22 : memref<640x128xf32, #tpu.memory_space<vmem_shared>>) dst(%dma_wait3A_20 : memref<640x128xf32, #tpu.memory_space<hbm>>)
      tpu.yield
    }) : () -> ()
    return
  }
}

#map = affine_map<(d0, d1) -> (0)>
#map1 = affine_map<(d0, d1) -> (0, 0)>
module attributes {stable_mosaic.version = 14 : i64} {
  func.func @_sc_degree(%arg0: i32, %arg1: i32, %arg2: memref<643072xi32, #tpu.memory_space<hbm>>, %arg3: memref<10240xf32, #tpu.memory_space<hbm>>, %arg4: memref<2x10240xf32, #tpu.memory_space<hbm>>, %arg5: memref<10240xf32, #tpu.memory_space<vmem_shared>>, %arg6: memref<128xi32, #tpu.memory_space<vmem>>, %arg7: memref<128xf32, #tpu.memory_space<vmem>>) attributes {dimension_semantics = [#tpu.dimension_semantics<core_parallel>, #tpu.dimension_semantics<subcore_parallel>], iteration_bounds = array<i64: 2, 16>, scalar_prefetch = 0 : i64, scratch_operands = 3 : i64, tpu.core_type = #tpu.core_type<sc_vector_subcore>, window_params = [{transform_indices = #map}, {transform_indices = #map}, {transform_indices = #map1}]} {
    %mul3A = arith.constant 16 : i32
    %mul3A_0 = arith.muli %arg0, %mul3A : i32
    %add3A = arith.addi %mul3A_0, %arg1 : i32
    %broadcast_in_dim3A = arith.constant 1.000000e+00 : f32
    %broadcast_in_dim3A_1 = vector.broadcast %broadcast_in_dim3A : f32 to vector<16xf32>
    %swap3A = arith.constant 0 : index
    %swap3A_2 = tpu.vector_load %arg7[%swap3A] {strides = array<i32>} : memref<128xf32, #tpu.memory_space<vmem>>, vector<16xf32>,
    %swap3A_3 = vector.shape_cast %swap3A_2 : vector<16xf32> to vector<16xf32>
    %swap3A_4 = vector.shape_cast %broadcast_in_dim3A_1 : vector<16xf32> to vector<16xf32>
    tpu.vector_store %arg7[%swap3A], %swap3A_4 {strides = array<i32>} : memref<128xf32, #tpu.memory_space<vmem>>, vector<16xf32>,
    %broadcast_in_dim3A_5 = arith.constant 1.000000e+00 : f32
    %broadcast_in_dim3A_6 = vector.broadcast %broadcast_in_dim3A_5 : f32 to vector<16xf32>
    %swap3A_7 = arith.constant 16 : index
    %swap3A_8 = tpu.vector_load %arg7[%swap3A_7] {strides = array<i32>} : memref<128xf32, #tpu.memory_space<vmem>>, vector<16xf32>,
    %swap3A_9 = vector.shape_cast %swap3A_8 : vector<16xf32> to vector<16xf32>
    %swap3A_10 = vector.shape_cast %broadcast_in_dim3A_6 : vector<16xf32> to vector<16xf32>
    tpu.vector_store %arg7[%swap3A_7], %swap3A_10 {strides = array<i32>} : memref<128xf32, #tpu.memory_space<vmem>>, vector<16xf32>,
    %broadcast_in_dim3A_11 = arith.constant 1.000000e+00 : f32
    %broadcast_in_dim3A_12 = vector.broadcast %broadcast_in_dim3A_11 : f32 to vector<16xf32>
    %swap3A_13 = arith.constant 32 : index
    %swap3A_14 = tpu.vector_load %arg7[%swap3A_13] {strides = array<i32>} : memref<128xf32, #tpu.memory_space<vmem>>, vector<16xf32>,
    %swap3A_15 = vector.shape_cast %swap3A_14 : vector<16xf32> to vector<16xf32>
    %swap3A_16 = vector.shape_cast %broadcast_in_dim3A_12 : vector<16xf32> to vector<16xf32>
    tpu.vector_store %arg7[%swap3A_13], %swap3A_16 {strides = array<i32>} : memref<128xf32, #tpu.memory_space<vmem>>, vector<16xf32>,
    %broadcast_in_dim3A_17 = arith.constant 1.000000e+00 : f32
    %broadcast_in_dim3A_18 = vector.broadcast %broadcast_in_dim3A_17 : f32 to vector<16xf32>
    %swap3A_19 = arith.constant 48 : index
    %swap3A_20 = tpu.vector_load %arg7[%swap3A_19] {strides = array<i32>} : memref<128xf32, #tpu.memory_space<vmem>>, vector<16xf32>,
    %swap3A_21 = vector.shape_cast %swap3A_20 : vector<16xf32> to vector<16xf32>
    %swap3A_22 = vector.shape_cast %broadcast_in_dim3A_18 : vector<16xf32> to vector<16xf32>
    tpu.vector_store %arg7[%swap3A_19], %swap3A_22 {strides = array<i32>} : memref<128xf32, #tpu.memory_space<vmem>>, vector<16xf32>,
    %broadcast_in_dim3A_23 = arith.constant 1.000000e+00 : f32
    %broadcast_in_dim3A_24 = vector.broadcast %broadcast_in_dim3A_23 : f32 to vector<16xf32>
    %swap3A_25 = arith.constant 64 : index
    %swap3A_26 = tpu.vector_load %arg7[%swap3A_25] {strides = array<i32>} : memref<128xf32, #tpu.memory_space<vmem>>, vector<16xf32>,
    %swap3A_27 = vector.shape_cast %swap3A_26 : vector<16xf32> to vector<16xf32>
    %swap3A_28 = vector.shape_cast %broadcast_in_dim3A_24 : vector<16xf32> to vector<16xf32>
    tpu.vector_store %arg7[%swap3A_25], %swap3A_28 {strides = array<i32>} : memref<128xf32, #tpu.memory_space<vmem>>, vector<16xf32>,
    %broadcast_in_dim3A_29 = arith.constant 1.000000e+00 : f32
    %broadcast_in_dim3A_30 = vector.broadcast %broadcast_in_dim3A_29 : f32 to vector<16xf32>
    %swap3A_31 = arith.constant 80 : index
    %swap3A_32 = tpu.vector_load %arg7[%swap3A_31] {strides = array<i32>} : memref<128xf32, #tpu.memory_space<vmem>>, vector<16xf32>,
    %swap3A_33 = vector.shape_cast %swap3A_32 : vector<16xf32> to vector<16xf32>
    %swap3A_34 = vector.shape_cast %broadcast_in_dim3A_30 : vector<16xf32> to vector<16xf32>
    tpu.vector_store %arg7[%swap3A_31], %swap3A_34 {strides = array<i32>} : memref<128xf32, #tpu.memory_space<vmem>>, vector<16xf32>,
    %broadcast_in_dim3A_35 = arith.constant 1.000000e+00 : f32
    %broadcast_in_dim3A_36 = vector.broadcast %broadcast_in_dim3A_35 : f32 to vector<16xf32>
    %swap3A_37 = arith.constant 96 : index
    %swap3A_38 = tpu.vector_load %arg7[%swap3A_37] {strides = array<i32>} : memref<128xf32, #tpu.memory_space<vmem>>, vector<16xf32>,
    %swap3A_39 = vector.shape_cast %swap3A_38 : vector<16xf32> to vector<16xf32>
    %swap3A_40 = vector.shape_cast %broadcast_in_dim3A_36 : vector<16xf32> to vector<16xf32>
    tpu.vector_store %arg7[%swap3A_37], %swap3A_40 {strides = array<i32>} : memref<128xf32, #tpu.memory_space<vmem>>, vector<16xf32>,
    %broadcast_in_dim3A_41 = arith.constant 1.000000e+00 : f32
    %broadcast_in_dim3A_42 = vector.broadcast %broadcast_in_dim3A_41 : f32 to vector<16xf32>
    %swap3A_43 = arith.constant 112 : index
    %swap3A_44 = tpu.vector_load %arg7[%swap3A_43] {strides = array<i32>} : memref<128xf32, #tpu.memory_space<vmem>>, vector<16xf32>,
    %swap3A_45 = vector.shape_cast %swap3A_44 : vector<16xf32> to vector<16xf32>
    %swap3A_46 = vector.shape_cast %broadcast_in_dim3A_42 : vector<16xf32> to vector<16xf32>
    tpu.vector_store %arg7[%swap3A_43], %swap3A_46 {strides = array<i32>} : memref<128xf32, #tpu.memory_space<vmem>>, vector<16xf32>,
    %mul3A_47 = arith.constant 640 : i32
    %mul3A_48 = arith.muli %arg1, %mul3A_47 : i32
    %mul3A_49 = arith.constant 640 : i32
    %mul3A_50 = arith.muli %arg1, %mul3A_49 : i32
    "tpu.region"() ({
      %run_scoped3A = tpu.sem_alloc : memref<!tpu.dma_semaphore, #tpu.memory_space<semaphore_mem>>
      %dma_start3A = tpu.memref_slice %arg5[%mul3A_50] : memref<10240xf32, #tpu.memory_space<vmem_shared>> -> memref<640xf32, #tpu.memory_space<vmem_shared>>
      %dma_start3A_61 = tpu.memref_slice %arg3[%mul3A_48] : memref<10240xf32, #tpu.memory_space<hbm>> -> memref<640xf32, #tpu.memory_space<hbm>>
      tpu.enqueue_dma source(%dma_start3A_61 : memref<640xf32, #tpu.memory_space<hbm>>) target(%dma_start3A : memref<640xf32, #tpu.memory_space<vmem_shared>>) target_semaphore(%run_scoped3A : memref<!tpu.dma_semaphore, #tpu.memory_space<semaphore_mem>>)
      %dma_wait3A = tpu.memref_slice %arg5[%mul3A_50] : memref<10240xf32, #tpu.memory_space<vmem_shared>> -> memref<640xf32, #tpu.memory_space<vmem_shared>>
      %dma_wait3A_62 = tpu.memref_slice %arg3[%mul3A_48] : memref<10240xf32, #tpu.memory_space<hbm>> -> memref<640xf32, #tpu.memory_space<hbm>>
      tpu.wait_dma2 semaphore(%run_scoped3A : memref<!tpu.dma_semaphore, #tpu.memory_space<semaphore_mem>>) src(%dma_wait3A_62 : memref<640xf32, #tpu.memory_space<hbm>>) dst(%dma_wait3A : memref<640xf32, #tpu.memory_space<vmem_shared>>)
      tpu.yield
    }) : () -> ()
    %barrier3A = arith.constant 0 : index
    tpu.barrier barrier_id(%barrier3A)
    %scan3A = arith.constant 0 : i32
    %scan3A_51 = arith.constant 0 : i32
    %scan3A_52 = arith.constant 157 : i32
    %scan3A_53 = arith.addi %scan3A_51, %scan3A_52 : i32
    %scan3A_54 = arith.constant 1 : i32
    scf.for %scan3A_61 = %scan3A_51 to %scan3A_53 step %scan3A_54  : i32 {
      %mul3A_62 = arith.constant 20096 : i32
      %mul3A_63 = arith.muli %add3A, %mul3A_62 : i32
      %mul3A_64 = arith.constant 128 : i32
      %mul3A_65 = arith.muli %scan3A_61, %mul3A_64 : i32
      %add3A_66 = arith.addi %mul3A_63, %mul3A_65 : i32
      "tpu.region"() ({
        %run_scoped3A = tpu.sem_alloc : memref<!tpu.dma_semaphore, #tpu.memory_space<semaphore_mem>>
        %dma_start3A = tpu.memref_slice %arg2[%add3A_66] : memref<643072xi32, #tpu.memory_space<hbm>> -> memref<128xi32, #tpu.memory_space<hbm>>
        %dma_start3A_67 = tpu.memref_slice %arg2[%add3A_66] : memref<643072xi32, #tpu.memory_space<hbm>> -> memref<128xi32, #tpu.memory_space<hbm>>
        tpu.enqueue_dma source(%dma_start3A_67 : memref<128xi32, #tpu.memory_space<hbm>>) target(%arg6 : memref<128xi32, #tpu.memory_space<vmem>>) target_semaphore(%run_scoped3A : memref<!tpu.dma_semaphore, #tpu.memory_space<semaphore_mem>>)
        %dma_wait3A = tpu.memref_slice %arg2[%add3A_66] : memref<643072xi32, #tpu.memory_space<hbm>> -> memref<128xi32, #tpu.memory_space<hbm>>
        %dma_wait3A_68 = tpu.memref_slice %arg2[%add3A_66] : memref<643072xi32, #tpu.memory_space<hbm>> -> memref<128xi32, #tpu.memory_space<hbm>>
        tpu.wait_dma2 semaphore(%run_scoped3A : memref<!tpu.dma_semaphore, #tpu.memory_space<semaphore_mem>>) src(%dma_wait3A_68 : memref<128xi32, #tpu.memory_space<hbm>>) dst(%arg6 : memref<128xi32, #tpu.memory_space<vmem>>)
        tpu.yield
      }) : () -> ()
      "tpu.region"() ({
        %run_scoped3A = tpu.sem_alloc : memref<!tpu.dma_semaphore, #tpu.memory_space<semaphore_mem>>
        %dma_start3A = arith.constant 0 : i32
        %dma_start3A_67 = tpu.memref_slice %arg5[%dma_start3A] : memref<10240xf32, #tpu.memory_space<vmem_shared>> -> memref<10240xf32, #tpu.memory_space<vmem_shared>>
        tpu.enqueue_indirect_dma source(%arg7 : memref<128xf32, #tpu.memory_space<vmem>>) target(%dma_start3A_67 : memref<10240xf32, #tpu.memory_space<vmem_shared>>) offsets(%arg6 : memref<128xi32, #tpu.memory_space<vmem>>) semaphore(%run_scoped3A : memref<!tpu.dma_semaphore, #tpu.memory_space<semaphore_mem>>) {add = true}
        %dma_wait3A = arith.constant 0 : i32
        %dma_wait3A_68 = tpu.memref_slice %arg5[%dma_wait3A] : memref<10240xf32, #tpu.memory_space<vmem_shared>> -> memref<10240xf32, #tpu.memory_space<vmem_shared>>
        tpu.wait_indirect_dma semaphore(%run_scoped3A : memref<!tpu.dma_semaphore, #tpu.memory_space<semaphore_mem>>) src(%arg7 : memref<128xf32, #tpu.memory_space<vmem>>) dst(%dma_wait3A_68 : memref<10240xf32, #tpu.memory_space<vmem_shared>>)
        tpu.yield
      }) : () -> ()
    }
    %scan3A_55 = arith.constant 157 : i32
    %barrier3A_56 = arith.constant 0 : index
    tpu.barrier barrier_id(%barrier3A_56)
    %mul3A_57 = arith.constant 640 : i32
    %mul3A_58 = arith.muli %arg1, %mul3A_57 : i32
    %mul3A_59 = arith.constant 640 : i32
    %mul3A_60 = arith.muli %arg1, %mul3A_59 : i32
    "tpu.region"() ({
      %run_scoped3A = tpu.sem_alloc : memref<!tpu.dma_semaphore, #tpu.memory_space<semaphore_mem>>
      %dma_start3A = tpu.memref_slice %arg4[%arg0, %mul3A_60] : memref<2x10240xf32, #tpu.memory_space<hbm>> -> memref<1x640xf32, #tpu.memory_space<hbm>>
      %dma_start3A_61 = tpu.memref_squeeze %dma_start3A : memref<1x640xf32, #tpu.memory_space<hbm>> -> memref<640xf32, #tpu.memory_space<hbm>>
      %dma_start3A_62 = tpu.memref_slice %arg5[%mul3A_58] : memref<10240xf32, #tpu.memory_space<vmem_shared>> -> memref<640xf32, #tpu.memory_space<vmem_shared>>
      tpu.enqueue_dma source(%dma_start3A_62 : memref<640xf32, #tpu.memory_space<vmem_shared>>) target(%dma_start3A_61 : memref<640xf32, #tpu.memory_space<hbm>>) target_semaphore(%run_scoped3A : memref<!tpu.dma_semaphore, #tpu.memory_space<semaphore_mem>>)
      %dma_wait3A = tpu.memref_slice %arg4[%arg0, %mul3A_60] : memref<2x10240xf32, #tpu.memory_space<hbm>> -> memref<1x640xf32, #tpu.memory_space<hbm>>
      %dma_wait3A_63 = tpu.memref_squeeze %dma_wait3A : memref<1x640xf32, #tpu.memory_space<hbm>> -> memref<640xf32, #tpu.memory_space<hbm>>
      %dma_wait3A_64 = tpu.memref_slice %arg5[%mul3A_58] : memref<10240xf32, #tpu.memory_space<vmem_shared>> -> memref<640xf32, #tpu.memory_space<vmem_shared>>
      tpu.wait_dma2 semaphore(%run_scoped3A : memref<!tpu.dma_semaphore, #tpu.memory_space<semaphore_mem>>) src(%dma_wait3A_64 : memref<640xf32, #tpu.memory_space<vmem_shared>>) dst(%dma_wait3A_63 : memref<640xf32, #tpu.memory_space<hbm>>)
      tpu.yield
    }) : () -> ()
    return
  }
}

#map = affine_map<(d0, d1) -> (0, 0)>
#map1 = affine_map<(d0, d1) -> (0)>
#map2 = affine_map<(d0, d1) -> (0, 0, 0)>
module attributes {stable_mosaic.version = 14 : i64} {
  func.func @_sc_propagate(%arg0: i32, %arg1: i32, %arg2: memref<10240x128xf32, #tpu.memory_space<hbm>>, %arg3: memref<643072xi32, #tpu.memory_space<hbm>>, %arg4: memref<643072xi32, #tpu.memory_space<hbm>>, %arg5: memref<10240x128xf32, #tpu.memory_space<hbm>>, %arg6: memref<2x10240x128xf32, #tpu.memory_space<hbm>>, %arg7: memref<10240x128xf32, #tpu.memory_space<vmem_shared>>, %arg8: memref<128xi32, #tpu.memory_space<vmem>>, %arg9: memref<128xi32, #tpu.memory_space<vmem>>, %arg10: memref<128x128xf32, #tpu.memory_space<vmem>>, %arg11: memref<!tpu.dma_semaphore, #tpu.memory_space<semaphore_mem>>) attributes {dimension_semantics = [#tpu.dimension_semantics<core_parallel>, #tpu.dimension_semantics<subcore_parallel>], iteration_bounds = array<i64: 2, 16>, scalar_prefetch = 0 : i64, scratch_operands = 5 : i64, tpu.core_type = #tpu.core_type<sc_vector_subcore>, window_params = [{transform_indices = #map}, {transform_indices = #map1}, {transform_indices = #map1}, {transform_indices = #map}, {transform_indices = #map2}]} {
    %mul3A = arith.constant 16 : i32
    %mul3A_0 = arith.muli %arg0, %mul3A : i32
    %add3A = arith.addi %mul3A_0, %arg1 : i32
    %mul3A_1 = arith.constant 640 : i32
    %mul3A_2 = arith.muli %arg1, %mul3A_1 : i32
    %mul3A_3 = arith.constant 640 : i32
    %mul3A_4 = arith.muli %arg1, %mul3A_3 : i32
    "tpu.region"() ({
      %run_scoped3A = tpu.sem_alloc : memref<!tpu.dma_semaphore, #tpu.memory_space<semaphore_mem>>
      %dma_start3A = arith.constant 0 : i32
      %dma_start3A_15 = tpu.memref_slice %arg7[%mul3A_4, %dma_start3A] : memref<10240x128xf32, #tpu.memory_space<vmem_shared>> -> memref<640x128xf32, #tpu.memory_space<vmem_shared>>
      %dma_start3A_16 = arith.constant 0 : i32
      %dma_start3A_17 = tpu.memref_slice %arg5[%mul3A_2, %dma_start3A_16] : memref<10240x128xf32, #tpu.memory_space<hbm>> -> memref<640x128xf32, #tpu.memory_space<hbm>>
      tpu.enqueue_dma source(%dma_start3A_17 : memref<640x128xf32, #tpu.memory_space<hbm>>) target(%dma_start3A_15 : memref<640x128xf32, #tpu.memory_space<vmem_shared>>) target_semaphore(%run_scoped3A : memref<!tpu.dma_semaphore, #tpu.memory_space<semaphore_mem>>)
      %dma_wait3A = arith.constant 0 : i32
      %dma_wait3A_18 = tpu.memref_slice %arg7[%mul3A_4, %dma_wait3A] : memref<10240x128xf32, #tpu.memory_space<vmem_shared>> -> memref<640x128xf32, #tpu.memory_space<vmem_shared>>
      %dma_wait3A_19 = arith.constant 0 : i32
      %dma_wait3A_20 = tpu.memref_slice %arg5[%mul3A_2, %dma_wait3A_19] : memref<10240x128xf32, #tpu.memory_space<hbm>> -> memref<640x128xf32, #tpu.memory_space<hbm>>
      tpu.wait_dma2 semaphore(%run_scoped3A : memref<!tpu.dma_semaphore, #tpu.memory_space<semaphore_mem>>) src(%dma_wait3A_20 : memref<640x128xf32, #tpu.memory_space<hbm>>) dst(%dma_wait3A_18 : memref<640x128xf32, #tpu.memory_space<vmem_shared>>)
      tpu.yield
    }) : () -> ()
    %barrier3A = arith.constant 0 : index
    tpu.barrier barrier_id(%barrier3A)
    %scan3A = arith.constant 0 : i32
    %scan3A_5 = arith.constant 0 : i32
    %scan3A_6 = arith.constant 157 : i32
    %scan3A_7 = arith.addi %scan3A_5, %scan3A_6 : i32
    %scan3A_8 = arith.constant 1 : i32
    scf.for %scan3A_15 = %scan3A_5 to %scan3A_7 step %scan3A_8  : i32 {
      %mul3A_16 = arith.constant 20096 : i32
      %mul3A_17 = arith.muli %add3A, %mul3A_16 : i32
      %mul3A_18 = arith.constant 128 : i32
      %mul3A_19 = arith.muli %scan3A_15, %mul3A_18 : i32
      %add3A_20 = arith.addi %mul3A_17, %mul3A_19 : i32
      "tpu.region"() ({
        %run_scoped3A = tpu.sem_alloc : memref<!tpu.dma_semaphore, #tpu.memory_space<semaphore_mem>>
        %dma_start3A_25 = tpu.memref_slice %arg3[%add3A_20] : memref<643072xi32, #tpu.memory_space<hbm>> -> memref<128xi32, #tpu.memory_space<hbm>>
        %dma_start3A_26 = tpu.memref_slice %arg3[%add3A_20] : memref<643072xi32, #tpu.memory_space<hbm>> -> memref<128xi32, #tpu.memory_space<hbm>>
        tpu.enqueue_dma source(%dma_start3A_26 : memref<128xi32, #tpu.memory_space<hbm>>) target(%arg8 : memref<128xi32, #tpu.memory_space<vmem>>) target_semaphore(%run_scoped3A : memref<!tpu.dma_semaphore, #tpu.memory_space<semaphore_mem>>)
        %dma_wait3A_27 = tpu.memref_slice %arg3[%add3A_20] : memref<643072xi32, #tpu.memory_space<hbm>> -> memref<128xi32, #tpu.memory_space<hbm>>
        %dma_wait3A_28 = tpu.memref_slice %arg3[%add3A_20] : memref<643072xi32, #tpu.memory_space<hbm>> -> memref<128xi32, #tpu.memory_space<hbm>>
        tpu.wait_dma2 semaphore(%run_scoped3A : memref<!tpu.dma_semaphore, #tpu.memory_space<semaphore_mem>>) src(%dma_wait3A_28 : memref<128xi32, #tpu.memory_space<hbm>>) dst(%arg8 : memref<128xi32, #tpu.memory_space<vmem>>)
        tpu.yield
      }) : () -> ()
      "tpu.region"() ({
        %run_scoped3A = tpu.sem_alloc : memref<!tpu.dma_semaphore, #tpu.memory_space<semaphore_mem>>
        %dma_start3A_25 = tpu.memref_slice %arg4[%add3A_20] : memref<643072xi32, #tpu.memory_space<hbm>> -> memref<128xi32, #tpu.memory_space<hbm>>
        %dma_start3A_26 = tpu.memref_slice %arg4[%add3A_20] : memref<643072xi32, #tpu.memory_space<hbm>> -> memref<128xi32, #tpu.memory_space<hbm>>
        tpu.enqueue_dma source(%dma_start3A_26 : memref<128xi32, #tpu.memory_space<hbm>>) target(%arg9 : memref<128xi32, #tpu.memory_space<vmem>>) target_semaphore(%run_scoped3A : memref<!tpu.dma_semaphore, #tpu.memory_space<semaphore_mem>>)
        %dma_wait3A_27 = tpu.memref_slice %arg4[%add3A_20] : memref<643072xi32, #tpu.memory_space<hbm>> -> memref<128xi32, #tpu.memory_space<hbm>>
        %dma_wait3A_28 = tpu.memref_slice %arg4[%add3A_20] : memref<643072xi32, #tpu.memory_space<hbm>> -> memref<128xi32, #tpu.memory_space<hbm>>
        tpu.wait_dma2 semaphore(%run_scoped3A : memref<!tpu.dma_semaphore, #tpu.memory_space<semaphore_mem>>) src(%dma_wait3A_28 : memref<128xi32, #tpu.memory_space<hbm>>) dst(%arg9 : memref<128xi32, #tpu.memory_space<vmem>>)
        tpu.yield
      }) : () -> ()
      %dma_start3A = arith.constant 0 : i32
      %dma_start3A_21 = arith.constant 0 : i32
      %dma_start3A_22 = tpu.memref_slice %arg2[%dma_start3A, %dma_start3A_21] : memref<10240x128xf32, #tpu.memory_space<hbm>> -> memref<10240x128xf32, #tpu.memory_space<hbm>>
      tpu.enqueue_indirect_dma source(%dma_start3A_22 : memref<10240x128xf32, #tpu.memory_space<hbm>>) target(%arg10 : memref<128x128xf32, #tpu.memory_space<vmem>>) offsets(%arg8 : memref<128xi32, #tpu.memory_space<vmem>>) semaphore(%arg11 : memref<!tpu.dma_semaphore, #tpu.memory_space<semaphore_mem>>)
      %dma_wait3A = arith.constant 0 : i32
      %dma_wait3A_23 = arith.constant 0 : i32
      %dma_wait3A_24 = tpu.memref_slice %arg2[%dma_wait3A, %dma_wait3A_23] : memref<10240x128xf32, #tpu.memory_space<hbm>> -> memref<10240x128xf32, #tpu.memory_space<hbm>>
      tpu.wait_indirect_dma semaphore(%arg11 : memref<!tpu.dma_semaphore, #tpu.memory_space<semaphore_mem>>) src(%dma_wait3A_24 : memref<10240x128xf32, #tpu.memory_space<hbm>>) dst(%arg10 : memref<128x128xf32, #tpu.memory_space<vmem>>)
      "tpu.region"() ({
        %run_scoped3A = tpu.sem_alloc : memref<!tpu.dma_semaphore, #tpu.memory_space<semaphore_mem>>
        %dma_start3A_25 = arith.constant 0 : i32
        %dma_start3A_26 = arith.constant 0 : i32
        %dma_start3A_27 = tpu.memref_slice %arg7[%dma_start3A_25, %dma_start3A_26] : memref<10240x128xf32, #tpu.memory_space<vmem_shared>> -> memref<10240x128xf32, #tpu.memory_space<vmem_shared>>
        tpu.enqueue_indirect_dma source(%arg10 : memref<128x128xf32, #tpu.memory_space<vmem>>) target(%dma_start3A_27 : memref<10240x128xf32, #tpu.memory_space<vmem_shared>>) offsets(%arg9 : memref<128xi32, #tpu.memory_space<vmem>>) semaphore(%run_scoped3A : memref<!tpu.dma_semaphore, #tpu.memory_space<semaphore_mem>>) {add = true}
        %dma_wait3A_28 = arith.constant 0 : i32
        %dma_wait3A_29 = arith.constant 0 : i32
        %dma_wait3A_30 = tpu.memref_slice %arg7[%dma_wait3A_28, %dma_wait3A_29] : memref<10240x128xf32, #tpu.memory_space<vmem_shared>> -> memref<10240x128xf32, #tpu.memory_space<vmem_shared>>
        tpu.wait_indirect_dma semaphore(%run_scoped3A : memref<!tpu.dma_semaphore, #tpu.memory_space<semaphore_mem>>) src(%arg10 : memref<128x128xf32, #tpu.memory_space<vmem>>) dst(%dma_wait3A_30 : memref<10240x128xf32, #tpu.memory_space<vmem_shared>>)
        tpu.yield
      }) : () -> ()
    }
    %scan3A_9 = arith.constant 157 : i32
    %barrier3A_10 = arith.constant 0 : index
    tpu.barrier barrier_id(%barrier3A_10)
    %mul3A_11 = arith.constant 640 : i32
    %mul3A_12 = arith.muli %arg1, %mul3A_11 : i32
    %mul3A_13 = arith.constant 640 : i32
    %mul3A_14 = arith.muli %arg1, %mul3A_13 : i32
    "tpu.region"() ({
      %run_scoped3A = tpu.sem_alloc : memref<!tpu.dma_semaphore, #tpu.memory_space<semaphore_mem>>
      %dma_start3A = arith.constant 0 : i32
      %dma_start3A_15 = tpu.memref_slice %arg6[%arg0, %mul3A_14, %dma_start3A] : memref<2x10240x128xf32, #tpu.memory_space<hbm>> -> memref<1x640x128xf32, #tpu.memory_space<hbm>>
      %dma_start3A_16 = tpu.memref_squeeze %dma_start3A_15 : memref<1x640x128xf32, #tpu.memory_space<hbm>> -> memref<640x128xf32, #tpu.memory_space<hbm>>
      %dma_start3A_17 = arith.constant 0 : i32
      %dma_start3A_18 = tpu.memref_slice %arg7[%mul3A_12, %dma_start3A_17] : memref<10240x128xf32, #tpu.memory_space<vmem_shared>> -> memref<640x128xf32, #tpu.memory_space<vmem_shared>>
      tpu.enqueue_dma source(%dma_start3A_18 : memref<640x128xf32, #tpu.memory_space<vmem_shared>>) target(%dma_start3A_16 : memref<640x128xf32, #tpu.memory_space<hbm>>) target_semaphore(%run_scoped3A : memref<!tpu.dma_semaphore, #tpu.memory_space<semaphore_mem>>)
      %dma_wait3A = arith.constant 0 : i32
      %dma_wait3A_19 = tpu.memref_slice %arg6[%arg0, %mul3A_14, %dma_wait3A] : memref<2x10240x128xf32, #tpu.memory_space<hbm>> -> memref<1x640x128xf32, #tpu.memory_space<hbm>>
      %dma_wait3A_20 = tpu.memref_squeeze %dma_wait3A_19 : memref<1x640x128xf32, #tpu.memory_space<hbm>> -> memref<640x128xf32, #tpu.memory_space<hbm>>
      %dma_wait3A_21 = arith.constant 0 : i32
      %dma_wait3A_22 = tpu.memref_slice %arg7[%mul3A_12, %dma_wait3A_21] : memref<10240x128xf32, #tpu.memory_space<vmem_shared>> -> memref<640x128xf32, #tpu.memory_space<vmem_shared>>
      tpu.wait_dma2 semaphore(%run_scoped3A : memref<!tpu.dma_semaphore, #tpu.memory_space<semaphore_mem>>) src(%dma_wait3A_22 : memref<640x128xf32, #tpu.memory_space<vmem_shared>>) dst(%dma_wait3A_20 : memref<640x128xf32, #tpu.memory_space<hbm>>)
      tpu.yield
    }) : () -> ()
    return
  }
}

module attributes {stable_mosaic.version = 14 : i64} {
  func.func @_tc_norm_body(%arg0: i32, %arg1: memref<2x1280x1xf32, #tpu.memory_space<vmem>>, %arg2: memref<1280x128xf32, #tpu.memory_space<vmem>>, %arg3: memref<1280x1xf32, #tpu.memory_space<vmem>>, %arg4: memref<1280x128xf32, #tpu.memory_space<vmem>>) attributes {dimension_semantics = [#tpu.dimension_semantics<arbitrary>], iteration_bounds = array<i64: 8>, scalar_prefetch = 0 : i64, scratch_operands = 0 : i64, tpu.core_type = #tpu.core_type<tc>, window_params = [{transform_indices = @transform_0, window_bounds = array<i64: 2, 1280, 1>}, {transform_indices = @transform_1, window_bounds = array<i64: 1280, 128>}, {transform_indices = @transform_2, window_bounds = array<i64: 1280, 1>}, {transform_indices = @transform_3, window_bounds = array<i64: 1280, 128>}]} {
    %get3A = arith.constant 0 : index
    %get3A_0 = arith.constant 0 : index
    %get3A_1 = arith.constant 0 : index
    %get3A_2 = vector.load %arg1[%get3A, %get3A_0, %get3A_1] : memref<2x1280x1xf32, #tpu.memory_space<vmem>>, vector<1x1280x1xf32>
    %get3A_3 = vector.shape_cast %get3A_2 : vector<1x1280x1xf32> to vector<1280x1xf32>
    %get3A_4 = arith.constant 1 : index
    %get3A_5 = arith.constant 0 : index
    %get3A_6 = arith.constant 0 : index
    %get3A_7 = vector.load %arg1[%get3A_4, %get3A_5, %get3A_6] : memref<2x1280x1xf32, #tpu.memory_space<vmem>>, vector<1x1280x1xf32>
    %get3A_8 = vector.shape_cast %get3A_7 : vector<1x1280x1xf32> to vector<1280x1xf32>
    %add3A = arith.addf %get3A_3, %get3A_8 : vector<1280x1xf32>
    %gt3A = arith.constant 0.000000e+00 : f32
    %gt3A_9 = vector.broadcast %gt3A : f32 to vector<1280x1xf32>
    %gt3A_10 = arith.cmpf ogt, %add3A, %gt3A_9 : vector<1280x1xf32>
    %rsqrt3A = math.rsqrt %add3A : vector<1280x1xf32>
    %jit3A = arith.constant 0.000000e+00 : f32
    %broadcast_in_dim3A = vector.broadcast %jit3A : f32 to vector<1280x1xf32>
    %select_n3A = arith.select %gt3A_10, %rsqrt3A, %broadcast_in_dim3A : vector<1280x1xi1>, vector<1280x1xf32>
    %swap3A = arith.constant 0 : index
    %swap3A_11 = arith.constant 0 : index
    %swap3A_12 = vector.load %arg3[%swap3A, %swap3A_11] : memref<1280x1xf32, #tpu.memory_space<vmem>>, vector<1280x1xf32>
    tpu.vector_store %arg3[%swap3A, %swap3A_11], %select_n3A {strides = array<i32>} : memref<1280x1xf32, #tpu.memory_space<vmem>>, vector<1280x1xf32>,
    %get3A_13 = arith.constant 0 : index
    %get3A_14 = arith.constant 0 : index
    %get3A_15 = vector.load %arg2[%get3A_13, %get3A_14] : memref<1280x128xf32, #tpu.memory_space<vmem>>, vector<1280x128xf32>
    %mul3A = vector.broadcast %select_n3A : vector<1280x1xf32> to vector<1280x128xf32>
    %mul3A_16 = arith.mulf %get3A_15, %mul3A : vector<1280x128xf32>
    %swap3A_17 = arith.constant 0 : index
    %swap3A_18 = arith.constant 0 : index
    %swap3A_19 = vector.load %arg4[%swap3A_17, %swap3A_18] : memref<1280x128xf32, #tpu.memory_space<vmem>>, vector<1280x128xf32>
    tpu.vector_store %arg4[%swap3A_17, %swap3A_18], %mul3A_16 {strides = array<i32>} : memref<1280x128xf32, #tpu.memory_space<vmem>>, vector<1280x128xf32>,
    return
  }
  func.func @transform_0(%arg0: i32) -> (i32, i32, i32) {
    %c0_i32 = arith.constant 0 : i32
    %c0_i32_0 = arith.constant 0 : i32
    %c0_i32_1 = arith.constant 0 : i32
    return %c0_i32, %arg0, %c0_i32_0 : i32, i32, i32
  }
  func.func @transform_1(%arg0: i32) -> (i32, i32) {
    %c0_i32 = arith.constant 0 : i32
    %c0_i32_0 = arith.constant 0 : i32
    return %arg0, %c0_i32 : i32, i32
  }
  func.func @transform_2(%arg0: i32) -> (i32, i32) {
    %c0_i32 = arith.constant 0 : i32
    %c0_i32_0 = arith.constant 0 : i32
    return %arg0, %c0_i32 : i32, i32
  }
  func.func @transform_3(%arg0: i32) -> (i32, i32) {
    %c0_i32 = arith.constant 0 : i32
    %c0_i32_0 = arith.constant 0 : i32
    return %arg0, %c0_i32 : i32, i32
  }
}

module attributes {stable_mosaic.version = 14 : i64} {
  func.func @_tc_mid_body(%arg0: i32, %arg1: memref<2x1280x128xf32, #tpu.memory_space<vmem>>, %arg2: memref<1280x1xf32, #tpu.memory_space<vmem>>, %arg3: memref<1280x128xf32, #tpu.memory_space<vmem>>, %arg4: memref<1280x128xf32, #tpu.memory_space<vmem>>, %arg5: memref<1280x128xf32, #tpu.memory_space<vmem>>) attributes {dimension_semantics = [#tpu.dimension_semantics<arbitrary>], iteration_bounds = array<i64: 8>, scalar_prefetch = 0 : i64, scratch_operands = 0 : i64, tpu.core_type = #tpu.core_type<tc>, window_params = [{transform_indices = @transform_0, window_bounds = array<i64: 2, 1280, 128>}, {transform_indices = @transform_1, window_bounds = array<i64: 1280, 1>}, {transform_indices = @transform_2, window_bounds = array<i64: 1280, 128>}, {transform_indices = @transform_3, window_bounds = array<i64: 1280, 128>}, {transform_indices = @transform_4, window_bounds = array<i64: 1280, 128>}]} {
    %get3A = arith.constant 0 : index
    %get3A_0 = arith.constant 0 : index
    %get3A_1 = vector.load %arg2[%get3A, %get3A_0] : memref<1280x1xf32, #tpu.memory_space<vmem>>, vector<1280x1xf32>
    %get3A_2 = arith.constant 0 : index
    %get3A_3 = arith.constant 0 : index
    %get3A_4 = arith.constant 0 : index
    %get3A_5 = vector.load %arg1[%get3A_2, %get3A_3, %get3A_4] : memref<2x1280x128xf32, #tpu.memory_space<vmem>>, vector<1x1280x128xf32>
    %get3A_6 = vector.shape_cast %get3A_5 : vector<1x1280x128xf32> to vector<1280x128xf32>
    %get3A_7 = arith.constant 1 : index
    %get3A_8 = arith.constant 0 : index
    %get3A_9 = arith.constant 0 : index
    %get3A_10 = vector.load %arg1[%get3A_7, %get3A_8, %get3A_9] : memref<2x1280x128xf32, #tpu.memory_space<vmem>>, vector<1x1280x128xf32>
    %get3A_11 = vector.shape_cast %get3A_10 : vector<1x1280x128xf32> to vector<1280x128xf32>
    %add3A = arith.addf %get3A_6, %get3A_11 : vector<1280x128xf32>
    %mul3A = vector.broadcast %get3A_1 : vector<1280x1xf32> to vector<1280x128xf32>
    %mul3A_12 = arith.mulf %add3A, %mul3A : vector<1280x128xf32>
    %mul3A_13 = vector.broadcast %get3A_1 : vector<1280x1xf32> to vector<1280x128xf32>
    %mul3A_14 = arith.mulf %mul3A_12, %mul3A_13 : vector<1280x128xf32>
    %swap3A = arith.constant 0 : index
    %swap3A_15 = arith.constant 0 : index
    %swap3A_16 = vector.load %arg4[%swap3A, %swap3A_15] : memref<1280x128xf32, #tpu.memory_space<vmem>>, vector<1280x128xf32>
    tpu.vector_store %arg4[%swap3A, %swap3A_15], %mul3A_14 {strides = array<i32>} : memref<1280x128xf32, #tpu.memory_space<vmem>>, vector<1280x128xf32>,
    %get3A_17 = arith.constant 0 : index
    %get3A_18 = arith.constant 0 : index
    %get3A_19 = vector.load %arg3[%get3A_17, %get3A_18] : memref<1280x128xf32, #tpu.memory_space<vmem>>, vector<1280x128xf32>
    %add3A_20 = arith.addf %get3A_19, %mul3A_12 : vector<1280x128xf32>
    %swap3A_21 = arith.constant 0 : index
    %swap3A_22 = arith.constant 0 : index
    %swap3A_23 = vector.load %arg5[%swap3A_21, %swap3A_22] : memref<1280x128xf32, #tpu.memory_space<vmem>>, vector<1280x128xf32>
    tpu.vector_store %arg5[%swap3A_21, %swap3A_22], %add3A_20 {strides = array<i32>} : memref<1280x128xf32, #tpu.memory_space<vmem>>, vector<1280x128xf32>,
    return
  }
  func.func @transform_0(%arg0: i32) -> (i32, i32, i32) {
    %c0_i32 = arith.constant 0 : i32
    %c0_i32_0 = arith.constant 0 : i32
    %c0_i32_1 = arith.constant 0 : i32
    return %c0_i32, %arg0, %c0_i32_0 : i32, i32, i32
  }
  func.func @transform_1(%arg0: i32) -> (i32, i32) {
    %c0_i32 = arith.constant 0 : i32
    %c0_i32_0 = arith.constant 0 : i32
    return %arg0, %c0_i32 : i32, i32
  }
  func.func @transform_2(%arg0: i32) -> (i32, i32) {
    %c0_i32 = arith.constant 0 : i32
    %c0_i32_0 = arith.constant 0 : i32
    return %arg0, %c0_i32 : i32, i32
  }
  func.func @transform_3(%arg0: i32) -> (i32, i32) {
    %c0_i32 = arith.constant 0 : i32
    %c0_i32_0 = arith.constant 0 : i32
    return %arg0, %c0_i32 : i32, i32
  }
  func.func @transform_4(%arg0: i32) -> (i32, i32) {
    %c0_i32 = arith.constant 0 : i32
    %c0_i32_0 = arith.constant 0 : i32
    return %arg0, %c0_i32 : i32, i32
  }
}

module attributes {stable_mosaic.version = 14 : i64} {
  func.func @_tc_final_body(%arg0: i32, %arg1: memref<2x1280x128xf32, #tpu.memory_space<vmem>>, %arg2: memref<1280x1xf32, #tpu.memory_space<vmem>>, %arg3: memref<1280x128xf32, #tpu.memory_space<vmem>>, %arg4: memref<1280x128xf32, #tpu.memory_space<vmem>>) attributes {dimension_semantics = [#tpu.dimension_semantics<arbitrary>], iteration_bounds = array<i64: 8>, scalar_prefetch = 0 : i64, scratch_operands = 0 : i64, tpu.core_type = #tpu.core_type<tc>, window_params = [{transform_indices = @transform_0, window_bounds = array<i64: 2, 1280, 128>}, {transform_indices = @transform_1, window_bounds = array<i64: 1280, 1>}, {transform_indices = @transform_2, window_bounds = array<i64: 1280, 128>}, {transform_indices = @transform_3, window_bounds = array<i64: 1280, 128>}]} {
    %get3A = arith.constant 0 : index
    %get3A_0 = arith.constant 0 : index
    %get3A_1 = arith.constant 0 : index
    %get3A_2 = vector.load %arg1[%get3A, %get3A_0, %get3A_1] : memref<2x1280x128xf32, #tpu.memory_space<vmem>>, vector<1x1280x128xf32>
    %get3A_3 = vector.shape_cast %get3A_2 : vector<1x1280x128xf32> to vector<1280x128xf32>
    %get3A_4 = arith.constant 1 : index
    %get3A_5 = arith.constant 0 : index
    %get3A_6 = arith.constant 0 : index
    %get3A_7 = vector.load %arg1[%get3A_4, %get3A_5, %get3A_6] : memref<2x1280x128xf32, #tpu.memory_space<vmem>>, vector<1x1280x128xf32>
    %get3A_8 = vector.shape_cast %get3A_7 : vector<1x1280x128xf32> to vector<1280x128xf32>
    %add3A = arith.addf %get3A_3, %get3A_8 : vector<1280x128xf32>
    %get3A_9 = arith.constant 0 : index
    %get3A_10 = arith.constant 0 : index
    %get3A_11 = vector.load %arg2[%get3A_9, %get3A_10] : memref<1280x1xf32, #tpu.memory_space<vmem>>, vector<1280x1xf32>
    %mul3A = vector.broadcast %get3A_11 : vector<1280x1xf32> to vector<1280x128xf32>
    %mul3A_12 = arith.mulf %add3A, %mul3A : vector<1280x128xf32>
    %get3A_13 = arith.constant 0 : index
    %get3A_14 = arith.constant 0 : index
    %get3A_15 = vector.load %arg3[%get3A_13, %get3A_14] : memref<1280x128xf32, #tpu.memory_space<vmem>>, vector<1280x128xf32>
    %add3A_16 = arith.addf %get3A_15, %mul3A_12 : vector<1280x128xf32>
    %mul3A_17 = arith.constant 0.333333343 : f32
    %mul3A_18 = vector.broadcast %mul3A_17 : f32 to vector<1280x128xf32>
    %mul3A_19 = arith.mulf %add3A_16, %mul3A_18 : vector<1280x128xf32>
    %swap3A = arith.constant 0 : index
    %swap3A_20 = arith.constant 0 : index
    %swap3A_21 = vector.load %arg4[%swap3A, %swap3A_20] : memref<1280x128xf32, #tpu.memory_space<vmem>>, vector<1280x128xf32>
    tpu.vector_store %arg4[%swap3A, %swap3A_20], %mul3A_19 {strides = array<i32>} : memref<1280x128xf32, #tpu.memory_space<vmem>>, vector<1280x128xf32>,
    return
  }
  func.func @transform_0(%arg0: i32) -> (i32, i32, i32) {
    %c0_i32 = arith.constant 0 : i32
    %c0_i32_0 = arith.constant 0 : i32
    %c0_i32_1 = arith.constant 0 : i32
    return %c0_i32, %arg0, %c0_i32_0 : i32, i32, i32
  }
  func.func @transform_1(%arg0: i32) -> (i32, i32) {
    %c0_i32 = arith.constant 0 : i32
    %c0_i32_0 = arith.constant 0 : i32
    return %arg0, %c0_i32 : i32, i32
  }
  func.func @transform_2(%arg0: i32) -> (i32, i32) {
    %c0_i32 = arith.constant 0 : i32
    %c0_i32_0 = arith.constant 0 : i32
    return %arg0, %c0_i32 : i32, i32
  }
  func.func @transform_3(%arg0: i32) -> (i32, i32) {
    %c0_i32 = arith.constant 0 : i32
    %c0_i32_0 = arith.constant 0 : i32
    return %arg0, %c0_i32 : i32, i32
  }
}

</mosaic_0001>

<sc_bundles>
// kernel: kernel.11.cloned.1.call-start
scs
__scs_entry_jumppad:
0x0: {  	(pc) =	sbr.rel $0x88, $3  }
0x1: {  	(tag) =	ssettag $0x0;
	lr =	simm.s32 $0x1  }
0x2: {  	[smem:$0x3F9F] =	sst lr;
	_ =	strace $0xD0000000  }
0x3: {  	_ = 	snop  }
0x4: {  	_ = 	snop  }
0x5: {  	_ = 	snop  }
0x6: {  	_ = 	snop  }
0x7: {  	_ = 	snop  }
__scs_overlays_trampoline_lowered:
0x8: {  	[smem:$0x3FAE] =	sst s0  }
0x9: {  	[smem:$0x3FAF] =	sst s1  }
0xa: {  	[smem:$0x3FB0] =	sst s2  }
0xb: {  	[smem:$0x3FB1] =	sst s3  }
0xc: {  	[smem:$0x3FB2] =	sst s4  }
0xd: {  	[smem:$0x3FB3] =	sst s5  }
0xe: {  	[smem:$0x3FB4] =	sst s6  }
0xf: {  	[smem:$0x3FB5] =	sst s7  }
0x10: {  	[smem:$0x3FB6] =	sst s8  }
0x11: {  	[smem:$0x3FB7] =	sst s9;
	s0 =	simm.s32 @!p0 $0x0  }
0x12: {  	s1 =	sld [smem:$0x3F9D];
	s0 =	simm.s32 @p0 $0x1  }
0x13: {  	[smem:$0x3FB8] =	sst s0;
	s0 =	simm.s32 @!p1 $0x0  }
0x14: {  	s2 =	sld [smem:$0x3F9C];
	s0 =	simm.s32 @p1 $0x1  }
0x15: {  	[smem:$0x3FB9] =	sst s0;
	s0 =	simm.s32 @!p2 $0x0  }
0x16: {  	s3 =	sld [smem:$0x3FDB];
	s0 =	simm.s32 @p2 $0x1  }
0x17: {  	s4 =	simm.s32 $0x1BF5;
	[smem:$0x3FBB] =	sst s0  }
0x18: {  	s0 =	sld [smem:$0x3F9E];
	_ =	swait.ge [sflag:s4], $0x0  }
0x19: {  	s7 =	sld [smem:$0x3F9F]  }
0x1a: {  	s8 =	sadd.s32 $0xFFFFE003, lr  }
0x1b: {  	s9 =	sadd.s32 $0xFFFFFEF7, lr;
	s5 =	simm.s32 $0xFFFFFFFF;
	p2 =	slt.u32 s8, $0xFFFFF086  }
0x1c: {  	p1 =	slt.u32 s9, $0xF7A;
	s5 =	simm.s32 @!p2 $0x0  }
0x1d: {  	s5 =	simm.s32 @p1 $0x1;
	p0 =	seq.s32 s7, s2  }
0x1e: {  	s7 =	smul.u32 @!p0 $0xF7A, s2;
	p2 =	seq.s32 @!p0 s5, $0x0  }
0x1f: {  	s9 =	smul.u32 $0xF7A, s1;
	s8 =	simm.s32 @!p0 $0x1BF5;
	p2 =	por !p2, p0  }
0x20: {  	[sflag:s8] =	ssyncset.s32 @!p0 $0xFFFFF086;
	s6 =	sadd.s32 @!p0 s3, s7;
	s7 =	simm.s32 @!p0 $0x108  }
0x21: {  	s3 =	sadd.s32 s3, s9;
	s6 =	sadd.s32 @!p0 $0x88, s6;
	s7 =	simm.s32 @p2 $0x1082  }
0x22: {  	[simem:s7], [sflag:s8] =	dma.local @!p0 [hbm:s6], $0xF7A  }
0x23: {  	s9 =	sor.u32 $0xD0000000, s2;
	s6 =	simm.s32 $0x108;
	_ =	swait.ge @!p0 [sflag:s8], $0x0  }
0x24: {  	s3 =	sadd.s32 $0x88, s3;
	s6 =	simm.s32 @!p1 $0x1082;
	[sflag:s4] =	ssyncset.s32 $0xFFFFF086  }
0x25: {  	[simem:s6], [sflag:s4] =	dma.local [hbm:s3], $0xF7A  }
0x26: {  	[smem:$0x3F9F] =	sst s1;
	(tag) =	ssettag s2;
	_ =	strace s9  }
0x27: {  	s1 =	sld [smem:$0x3FAF]  }
0x28: {  	s2 =	sld [smem:$0x3FB0]  }
0x29: {  	s4 =	sld [smem:$0x3FB2]  }
0x2a: {  	p0 =	seq.s32 s5, $0x0;
	s5 =	sld [smem:$0x3FB3]  }
0x2b: {  	s6 =	sld [smem:$0x3FB4]  }
0x2c: {  	s7 =	sld [smem:$0x3FB5]  }
0x2d: {  	s3 =	simm.s32 $0x108;
	s8 =	sld [smem:$0x3FB6]  }
0x2e: {  	s3 =	simm.s32 @!p0 $0x1082;
	s9 =	sld [smem:$0x3FB7]  }
0x2f: {  	lr =	sadd.s32 s0, s3;
	s0 =	sld [smem:$0x3FAE]  }
0x30: {  	s3 =	sld [smem:$0x3FB1]  }
0x31: {  	[smem:$0x3FBA] =	sst s10  }
0x32: {  	s10 =	sld [smem:$0x3FB8];
	_ =	sdelay $0x3  }
0x33: {  	p0 =	seq.s32 s10, $0x1;
	s10 =	sld [smem:$0x3FBA];
	_ =	sdelay $0x3  }
0x34: {  	[smem:$0x3FBA] =	sst s10  }
0x35: {  	s10 =	sld [smem:$0x3FB9];
	_ =	sdelay $0x3  }
0x36: {  	p1 =	seq.s32 s10, $0x1;
	s10 =	sld [smem:$0x3FBA];
	_ =	sdelay $0x3  }
0x37: {  	[smem:$0x3FBA] =	sst s10  }
0x38: {  	s10 =	sld [smem:$0x3FBB]  }
0x39: {  	_ = 	snop;
	(pc) =	sbr.ind lr, $3  }
0x3a: {  	_ = 	snop  }
0x3b: {  	_ = 	snop  }
0x3c: {  	p2 =	seq.s32 s10, $0x1;
	s10 =	sld [smem:$0x3FBA]  }
0x3d: {  	_ =	shalt  }
0x3e: {  	_ =	shalt  }
0x3f: {  	_ =	shalt  }
0x40: {  	_ =	shalt  }
0x41: {  	_ =	shalt  }
0x42: {  	_ =	shalt  }
0x43: {  	_ =	shalt  }
0x44: {  	_ =	shalt  }
0x45: {  	_ =	shalt  }
0x46: {  	_ =	shalt  }
0x47: {  	_ =	shalt  }
0x48: {  	_ =	shalt  }
0x49: {  	_ =	shalt  }
0x4a: {  	_ =	shalt  }
0x4b: {  	_ =	shalt  }
0x4c: {  	_ =	shalt  }
0x4d: {  	_ =	shalt  }
0x4e: {  	_ =	shalt  }
0x4f: {  	_ =	shalt  }
0x50: {  	_ =	shalt  }
0x51: {  	_ =	shalt  }
0x52: {  	_ =	shalt  }
0x53: {  	_ =	shalt  }
0x54: {  	_ =	shalt  }
0x55: {  	_ =	shalt  }
0x56: {  	_ =	shalt  }
0x57: {  	_ =	shalt  }
0x58: {  	_ =	shalt  }
0x59: {  	_ =	shalt  }
0x5a: {  	_ =	shalt  }
0x5b: {  	_ =	shalt  }
0x5c: {  	_ =	shalt  }
0x5d: {  	_ =	shalt  }
0x5e: {  	_ =	shalt  }
0x5f: {  	_ =	shalt  }
0x60: {  	_ =	shalt  }
0x61: {  	_ =	shalt  }
0x62: {  	_ =	shalt  }
0x63: {  	_ =	shalt  }
0x64: {  	_ =	shalt  }
0x65: {  	_ =	shalt  }
0x66: {  	_ =	shalt  }
0x67: {  	_ =	shalt  }
0x68: {  	_ =	shalt  }
0x69: {  	_ =	shalt  }
0x6a: {  	_ =	shalt  }
0x6b: {  	_ =	shalt  }
0x6c: {  	_ =	shalt  }
0x6d: {  	_ =	shalt  }
0x6e: {  	_ =	shalt  }
0x6f: {  	_ =	shalt  }
0x70: {  	_ =	shalt  }
0x71: {  	_ =	shalt  }
0x72: {  	_ =	shalt  }
0x73: {  	_ =	shalt  }
0x74: {  	_ =	shalt  }
0x75: {  	_ =	shalt  }
0x76: {  	_ =	shalt  }
0x77: {  	_ =	shalt  }
0x78: {  	_ =	shalt  }
0x79: {  	_ =	shalt  }
0x7a: {  	_ =	shalt  }
0x7b: {  	_ =	shalt  }
0x7c: {  	_ =	shalt  }
0x7d: {  	_ =	shalt  }
0x7e: {  	_ =	shalt  }
0x7f: {  	_ =	shalt  }
0x80: {  	_ =	shalt  }
0x81: {  	_ =	shalt  }
0x82: {  	_ =	shalt  }
0x83: {  	_ =	shalt  }
0x84: {  	_ =	shalt  }
0x85: {  	_ =	shalt  }
0x86: {  	_ =	shalt  }
0x87: {  	_ =	shalt  }
.Lfunc_end0:
.L_simem_size_0:
called_computation.1_lowered:
.L_overlay_start_0:
0x88: {  	s2 =	sld [smem:$0x3FD9]  }
0x89: {  	s3 =	sld [smem:$0x3FFE];
	_ =	sdelay $0x1  }
0x8a: {  	s1 =	srdreg.scid  }
0x8b: {  	s0 =	sand.u32 $0x1, s1  }
0x8c: {  	s17 =	sshll.u32 s0, $0xA;
	s2 =	sadd.s32 s3, s2  }
0x8d: {  	s2 =	sadd.s32 s2, s17  }
0x8e: {  	[smem:$0x3FC6] =	sst s2  }
0x8f: {  	_ = 	snop  }
0x90: {  	s2 =	sld [smem:$0x3FD0];
	(tm) =	ssettm $0x1  }
0x91: {  	s18 =	sld [smem:$0x3FFB];
	_ =	sdelay $0x3  }
0x92: {  	_ =	strace s18  }
0x93: {  	s3 =	sld [smem:$0x3FFC];
	_ =	sdelay $0x3  }
0x94: {  	_ =	strace s3  }
0x95: {  	s3 =	sld [smem:$0x3FFD];
	_ =	sdelay $0x3  }
0x96: {  	_ =	strace s3  }
0x97: {  	_ =	strace $0x8FFFFFFF  }
0x98: {  	s19 =	sld [smem:$0x3FDB];
	_ =	sdelay $0x1  }
0x99: {  	s4 =	simm.s32 $_scs_section_size  }
0x9a: {  	s5 =	simm.s32 $_size__tile_overlayer_lowered;
	s6 =	simm.s32 $_tile_overlayer_lowered  }
0x9b: {  	s22 =	simm.s32 $0x1BFF;
	s21 =	sshll.u32 s6, $0x1;
	s3 =	sadd.s32 s4, s19  }
0x9c: {  	s7 =	simm.s32 $0x0;
	s20 =	sshll.u32 s5, $0x1;
	s5 =	sadd.s32 s21, s3  }
0x9d: {  	[timem:s7], [sflag:s22] =	dma.local [hbm:s5], s20  }
0x9e: {  	_ =	swait.ge [sflag:s22], s20  }
0x9f: {  	s4 =	ssub.s32 $0x0, s20;
	[sflag:s22] =	ssyncset.done $0x0  }
0xa0: {  	[sflag:s22] =	ssyncadd.s32 s4;
	_ =	sdelay $0x1  }
0xa1: {  	s23 =	simm.s32 $0x1B8B  }
0xa2: {  	_ =	swait.ge [sflag:s23], $0x1  }
0xa3: {  	[sflag:s23] =	ssyncset.done $0x0  }
0xa4: {  	s25 =	simm.s32 $0x1B8E;
	s24 =	sld [smem:$0x3FFE];
	[sflag:s23] =	ssyncadd.s32 $0xFFFFFFFF  }
0xa5: {  	s26 =	simm.s32 $execute0_lowered;
	[smem:$0x3FD2] =	sst s25  }
0xa6: {  	s5 =	sshll.u32 s26, $0x1;
	_ =	strace $0x80000049;
	[dreg:$0x1] =	wrdreg $0xFFFFFFFF  }
0xa7: {  	s28 =	simm.s32 $_size_execute0_lowered;
	s3 =	sadd.s32 s3, s5;
	[dreg:$0x0] =	wrdreg $0x0  }
0xa8: {  	s5 =	sshll.u32 s28, $0x1;
	[dreg:$0x2] =	wrdreg s3  }
0xa9: {  	[dreg:$0x3] =	wrdreg s5  }
0xaa: {  	[dreg:$0x4] =	wrdreg $0xC0  }
0xab: {  	_ =	task [dreg:s7], $0x5FFFF  }
0xac: {  	[dreg:$0x1] =	wrdreg $0xFFFFFFFF  }
0xad: {  	[dreg:$0x0] =	wrdreg $0x60  }
0xae: {  	[dreg:$0x2] =	wrdreg s24  }
0xaf: {  	[dreg:$0x3] =	wrdreg s2  }
0xb0: {  	[dreg:$0x4] =	wrdreg $0x0  }
0xb1: {  	[dreg:$0x5] =	wrdreg $0x9  }
0xb2: {  	_ =	task.clear_ibuf [dreg:s7], $0x6FFFF;
	_ =	strace $0x90000049  }
0xb3: {  	s29 =	simm.s32 $0x9;
	_ =	strace $0x8000004B  }
0xb4: {  	_ =	swait.ge [sflag:s29], $0x1  }
0xb5: {  	[sflag:s29] =	ssyncadd.s32 $0xFFFFFFFF  }
0xb6: {  	_ =	strace $0x9000004B  }
0xb7: {  	_ =	sfence  }
0xb8: {  	s30 =	sld [smem:$0x0];
	_ =	sdelay $0x2  }
0xb9: {  	s31 =	sshll.u32 s1, $0xD;
	s1 =	sshrl.u32 s1, $0x2  }
0xba: {  	s3 =	sand.u32 $0x4000, s31;
	s1 =	sadd.s32 s1, s30  }
0xbb: {  	s0 =	sor.u32 s3, s0;
	s1 =	sshll.u32 s1, $0x11  }
0xbc: {  	s0 =	sor.u32 s1, s0  }
0xbd: {  	s0 =	sadd.s32 $0x8F2B, s0  }
0xbe: {  	[sflag:s0] =	ssyncadd.remote.s32 $0x1  }
0xbf: {  	_ =	sfence.sel $0xFFFF  }
0xc0: {  	[dreg:$0x0] =	wrdreg $0xFFFFFFFF;
	(pc) =	sbr.abs _section_cstart, $3  }
0xc1: {  	[dreg:$0x1] =	wrdreg $0xFFFFFFFF  }
0xc2: {  	_ =	task.clear_ibuf [dreg:s7], $0x2FFFF;
	_ =	strace $0x9FFFFFFF  }
0xc3: {  	(tm) =	ssettm $0x7FFFFFFF  }
tec
execute0_lowered:
.L_overlay_start_1:
0x0: {  	(tag) =	ssettag $0x1  }
0x1: {  	s5 =	rddreg [dreg:$0x0]  }
0x2: {  	s10 =	rddreg [dreg:$0x1];
	s0 =	srdreg.scid  }
0x3: {  	s2 =	rddreg [dreg:$0x2];
	s1 =	stileid.u32  }
0x4: {  	s3 =	simm.s32 $0x0;
	s16 =	simm.s32 $0x14100;
	s7 =	smul.u32 $0x14000, s1  }
0x5: {  	s17 =	simm.s32 $0x1;
	s18 =	simm.s32 $0x0;
	s28 =	smul.u32 $0x50000, s1  }
0x6: {  	s6 =	sand.u32 $0x1, s0;
	s0 =	rddreg [dreg:$0x3];
	s14 =	smul.u32 $0x9D0, s1  }
0x7: {  	[smem:$0x7FF] =	sst s3;
	s4 =	sadd.s32 $0x15000, s5;
	s11 =	smul.u32 $0x9D00, s6  }
0x8: {  	s31 =	sshll.u32 s1, $0x6;
	s8 =	smul.u32 $0x140000, s6;
	s6 =	ssub.s32 $0x2, s6  }
0x9: {  	_ =	strace $0x8000004A;
	s12 =	sshrl.u32 s7, $0x3;
	s29 =	sshrl.u32 s6, $0x1  }
0xa: {  	s30 =	sshrl.u32 s28, $0x2;
	s9 =	sadd.s32 s11, s5;
	s7 =	sadd.s32 s7, s8  }
0xb: {  	s12 =	sadd.s32 s12, s5;
	s13 =	ssub.s32 s6, s29;
	s15 =	sadd.s32 s30, s2  }
0xc: {  	s6 =	sor.u32 $0x1C02, s31;
	s10 =	sadd.s32 s11, s10;
	s7 =	sshrl.u32 s7, $0x3  }
0xd: {  	s9 =	sadd.s32 s14, s9;
	s8 =	smax.u32 s13, $0x1;
	s10 =	sadd.s32 s14, s10  }
0xe: {  	s11 =	sshrl.u32 s15, $0x3;
	s13 =	simm.s32 $0x14000;
	s14 =	simm.s32 $0x14080  }
0xf: {  	s15 =	simm.s32 $0x80;
	s7 =	sadd.s32 s7, s5;
	s5 =	sadd.s32 $0x3D000, s12  }
0x10: {  	s9 =	sadd.s32 $0x1600, s9;
	s12 =	simm.s32 $0x2;
	s7 =	sadd.s32 $0x65000, s7  }
.LBB2_1:
0x11: {  	[spmem:s11], [sflag:s6] =	dma.local [hbm:s5], $0x2800  }
0x12: {  	_ =	swait.ge [sflag:s12], $0x2800  }
0x13: {  	[sflag:s12] =	ssyncset.done $0x0  }
0x14: {  	[sflag:s12] =	ssyncadd.s32 $0xFFFFD800  }
0x15: {  	s19 =	sadd.s32 $0x0, s10;
	[bflag:$0x0] =	sbarrier.arrive $0xFFFF  }
0x16: {  	[tilespmem:s13], [sflag:$0x2] =	stream.linear.gather [hbm4b:s19+s3], $0x80, $0x38;
	[tilespmem:$0x18100] =	vst v63  }
0x17: {  	_ =	swait.ge [sflag:s12], $0x80  }
0x18: {  	[sflag:s12] =	ssyncset.done $0x0  }
0x19: {  	s31 =	sadd.s32 $0x0, s9;
	[sflag:s12] =	ssyncadd.s32 $0xFFFFFF80  }
0x1a: {  	[tilespmem:s14], [sflag:$0x2] =	stream.linear.gather [hbm4b:s31+s3], $0x80, $0x38;
	[tilespmem:$0x18100] =	vst v63  }
0x1b: {  	_ =	swait.ge [sflag:s12], $0x80  }
0x1c: {  	[sflag:s12] =	ssyncset.done $0x0  }
0x1d: {  	[sflag:s12] =	ssyncadd.s32 $0xFFFFFF80  }
0x1e: {  	[tilespmem:s16], [sflag:$0x1] =	stream.indirect.gather [hbm4b:s4+s15], $0x80, s13, s15, $0xb8;
	[tilespmem:$0x18100] =	vst v63  }
0x1f: {  	_ =	swait.ge [sflag:s17], $0x4000  }
0x20: {  	[sflag:s17] =	ssyncset.done $0x0  }
0x21: {  	[sflag:s17] =	ssyncadd.s32 $0xFFFFC000  }
0x22: {  	[spmem:s2] =	stream.indirect.scatter.add.f32 [tilespmem:s16], [sflag:$0x2], $0x80, s14, s15, $0xb8;
	[tilespmem:$0x18100] =	vst v63  }
0x23: {  	_ =	swait.ge [sflag:s12], $0x4000  }
0x24: {  	s20 =	simm.s32 $0x20;
	s19 =	simm.s32 $0x10;
	[sflag:s12] =	ssyncset.done $0x0  }
.LBB2_2:
0x25: {  	s21 =	sadd.s32 s19, s10  }
0x26: {  	[sflag:s12] =	ssyncadd.s32 $0xFFFFC000;
	s22 =	smov.u32 s20;
	s23 =	sadd.s32 $0x10, s20  }
0x27: {  	[tilespmem:s13], [sflag:$0x2] =	stream.linear.gather [hbm4b:s21+s3], $0x80, $0x38;
	[tilespmem:$0x18100] =	vst v63  }
0x28: {  	p0 =	sne.s32 s20, $0x9C0;
	_ =	swait.ge [sflag:s12], $0x80  }
0x29: {  	[sflag:s12] =	ssyncset.done $0x0  }
0x2a: {  	s20 =	sadd.s32 s19, s9;
	s19 =	smov.u32 s22;
	[sflag:s12] =	ssyncadd.s32 $0xFFFFFF80  }
0x2b: {  	[tilespmem:s14], [sflag:$0x2] =	stream.linear.gather [hbm4b:s20+s3], $0x80, $0x38;
	[tilespmem:$0x18100] =	vst v63  }
0x2c: {  	_ =	swait.ge [sflag:s12], $0x80  }
0x2d: {  	[sflag:s12] =	ssyncset.done $0x0  }
0x2e: {  	[sflag:s12] =	ssyncadd.s32 $0xFFFFFF80  }
0x2f: {  	[tilespmem:s16], [sflag:$0x1] =	stream.indirect.gather [hbm4b:s4+s15], $0x80, s13, s15, $0xb8;
	[tilespmem:$0x18100] =	vst v63  }
0x30: {  	_ =	swait.ge [sflag:s17], $0x4000  }
.Ltmp0:
0x31: {  	[sflag:s17] =	ssyncset.done $0x0;
	(pc) =	sbr.rel @p0 .LBB2_2-.Ltmp0, $4  }
0x32: {  	[sflag:s17] =	ssyncadd.s32 $0xFFFFC000  }
0x33: {  	[spmem:s2] =	stream.indirect.scatter.add.f32 [tilespmem:s16], [sflag:$0x2], $0x80, s14, s15, $0xb8;
	[tilespmem:$0x18100] =	vst v63  }
0x34: {  	_ =	swait.ge [sflag:s12], $0x4000  }
0x35: {  	s20 =	smov.u32 s23;
	[sflag:s12] =	ssyncset.done $0x0  }
0x36: {  	s20 =	sadd.s32 s19, s10;
	[sflag:s12] =	ssyncadd.s32 $0xFFFFC000  }
0x37: {  	[tilespmem:s13], [sflag:$0x2] =	stream.linear.gather [hbm4b:s20+s3], $0x80, $0x38;
	[tilespmem:$0x18100] =	vst v63  }
0x38: {  	_ =	swait.ge [sflag:s12], $0x80  }
0x39: {  	[sflag:s12] =	ssyncset.done $0x0  }
0x3a: {  	s31 =	sadd.s32 s19, s9;
	[sflag:s12] =	ssyncadd.s32 $0xFFFFFF80  }
0x3b: {  	[tilespmem:s14], [sflag:$0x2] =	stream.linear.gather [hbm4b:s31+s3], $0x80, $0x38;
	[tilespmem:$0x18100] =	vst v63  }
0x3c: {  	_ =	swait.ge [sflag:s12], $0x80  }
0x3d: {  	[sflag:s12] =	ssyncset.done $0x0  }
0x3e: {  	[sflag:s12] =	ssyncadd.s32 $0xFFFFFF80  }
0x3f: {  	[tilespmem:s16], [sflag:$0x1] =	stream.indirect.gather [hbm4b:s4+s15], $0x80, s13, s15, $0xb8;
	[tilespmem:$0x18100] =	vst v63  }
0x40: {  	_ =	swait.ge [sflag:s17], $0x4000  }
0x41: {  	[sflag:s17] =	ssyncset.done $0x0  }
0x42: {  	[sflag:s17] =	ssyncadd.s32 $0xFFFFC000  }
0x43: {  	[spmem:s2] =	stream.indirect.scatter.add.f32 [tilespmem:s16], [sflag:$0x2], $0x80, s14, s15, $0xb8;
	[tilespmem:$0x18100] =	vst v63  }
0x44: {  	_ =	swait.ge [sflag:s12], $0x4000  }
0x45: {  	s18 =	sadd.s32 $0x1, s18;
	[sflag:s12] =	ssyncset.done $0x0  }
0x46: {  	p0 =	sne.s32 s18, s8;
	[sflag:s12] =	ssyncadd.s32 $0xFFFFC000  }
.Ltmp1:
0x47: {  	[bflag:$0x0] =	sbarrier.arrive $0xFFFF;
	(pc) =	sbr.rel @p0 .LBB2_1-.Ltmp1, $4  }
0x48: {  	[hbm:s7], [sflag:s6] =	dma.local [spmem:s11], $0x2800  }
0x49: {  	_ =	swait.ge [sflag:s12], $0x2800  }
0x4a: {  	[sflag:s12] =	ssyncset.done $0x0  }
0x4b: {  	[sflag:s12] =	ssyncadd.s32 $0xFFFFD800  }
0x4c: {  	_ =	sfence.sel $0x180000  }
0x4d: {  	[bflag:$0x0] =	sbarrier.arrive $0xFFFF  }
0x4e: {  	p0 =	sne.s32 s1, $0x0;
	_ =	strace $0x9000004A  }
0x4f: {  	s0 =	sadd.s32 @!p0 $0x100000, s0;
	[bflag:$0x2] =	sbarrier.arrive $0xFFFF  }
0x50: {  	[sflag:s0] =	ssyncadd.tile.s32 @!p0 $0x1;
	_ =	shalt  }
.Lfunc_end2:
_tile_overlayer_lowered:
.L_overlay_start_2:
0x51: {  	(tag) =	ssettag $0x2  }
0x52: {  	s0 =	rddreg [dreg:$0x0];
	s2 =	stileid.u32  }
0x53: {  	s1 =	rddreg [dreg:$0x1];
	p0 =	sne.s32 s2, $0x0  }
0x54: {  	s3 =	rddreg [dreg:$0x2];
	[bflag:$0x3] =	sbarrier.arrive $0xFFFF;
	s2 =	simm.s32 @!p0 $0x1C02  }
0x55: {  	[timem:s3], [sflag:s2] =	dma.local @!p0 [hbm:s0], s1  }
0x56: {  	s0 =	simm.s32 @!p0 $0x2  }
0x57: {  	_ =	swait.ge @!p0 [sflag:s0], s1  }
0x58: {  	s1 =	ssub.s32 @!p0 $0x0, s1;
	[sflag:s0] =	ssyncset.done @!p0 $0x0  }
0x59: {  	[sflag:s0] =	ssyncadd.s32 @!p0 s1  }
0x5a: {  	[bflag:$0x3] =	sbarrier.arrive $0xFFFF  }
0x5b: {  	_ =	shalt  }

// kernel: kernel.14.cloned.1.call-start
scs
__scs_entry_jumppad:
0x0: {  	(pc) =	sbr.rel $0x88, $3  }
0x1: {  	(tag) =	ssettag $0x0;
	lr =	simm.s32 $0x1  }
0x2: {  	[smem:$0x3F9F] =	sst lr;
	_ =	strace $0xD0000000  }
0x3: {  	_ = 	snop  }
0x4: {  	_ = 	snop  }
0x5: {  	_ = 	snop  }
0x6: {  	_ = 	snop  }
0x7: {  	_ = 	snop  }
__scs_overlays_trampoline_lowered:
0x8: {  	[smem:$0x3FAE] =	sst s0  }
0x9: {  	[smem:$0x3FAF] =	sst s1  }
0xa: {  	[smem:$0x3FB0] =	sst s2  }
0xb: {  	[smem:$0x3FB1] =	sst s3  }
0xc: {  	[smem:$0x3FB2] =	sst s4  }
0xd: {  	[smem:$0x3FB3] =	sst s5  }
0xe: {  	[smem:$0x3FB4] =	sst s6  }
0xf: {  	[smem:$0x3FB5] =	sst s7  }
0x10: {  	[smem:$0x3FB6] =	sst s8  }
0x11: {  	[smem:$0x3FB7] =	sst s9;
	s0 =	simm.s32 @!p0 $0x0  }
0x12: {  	s1 =	sld [smem:$0x3F9D];
	s0 =	simm.s32 @p0 $0x1  }
0x13: {  	[smem:$0x3FB8] =	sst s0;
	s0 =	simm.s32 @!p1 $0x0  }
0x14: {  	s2 =	sld [smem:$0x3F9C];
	s0 =	simm.s32 @p1 $0x1  }
0x15: {  	[smem:$0x3FB9] =	sst s0;
	s0 =	simm.s32 @!p2 $0x0  }
0x16: {  	s3 =	sld [smem:$0x3FDB];
	s0 =	simm.s32 @p2 $0x1  }
0x17: {  	s4 =	simm.s32 $0x1BF5;
	[smem:$0x3FBB] =	sst s0  }
0x18: {  	s0 =	sld [smem:$0x3F9E];
	_ =	swait.ge [sflag:s4], $0x0  }
0x19: {  	s7 =	sld [smem:$0x3F9F]  }
0x1a: {  	s8 =	sadd.s32 $0xFFFFE003, lr  }
0x1b: {  	s9 =	sadd.s32 $0xFFFFFEF7, lr;
	s5 =	simm.s32 $0xFFFFFFFF;
	p2 =	slt.u32 s8, $0xFFFFF086  }
0x1c: {  	p1 =	slt.u32 s9, $0xF7A;
	s5 =	simm.s32 @!p2 $0x0  }
0x1d: {  	s5 =	simm.s32 @p1 $0x1;
	p0 =	seq.s32 s7, s2  }
0x1e: {  	s7 =	smul.u32 @!p0 $0xF7A, s2;
	p2 =	seq.s32 @!p0 s5, $0x0  }
0x1f: {  	s9 =	smul.u32 $0xF7A, s1;
	s8 =	simm.s32 @!p0 $0x1BF5;
	p2 =	por !p2, p0  }
0x20: {  	[sflag:s8] =	ssyncset.s32 @!p0 $0xFFFFF086;
	s6 =	sadd.s32 @!p0 s3, s7;
	s7 =	simm.s32 @!p0 $0x108  }
0x21: {  	s3 =	sadd.s32 s3, s9;
	s6 =	sadd.s32 @!p0 $0x88, s6;
	s7 =	simm.s32 @p2 $0x1082  }
0x22: {  	[simem:s7], [sflag:s8] =	dma.local @!p0 [hbm:s6], $0xF7A  }
0x23: {  	s9 =	sor.u32 $0xD0000000, s2;
	s6 =	simm.s32 $0x108;
	_ =	swait.ge @!p0 [sflag:s8], $0x0  }
0x24: {  	s3 =	sadd.s32 $0x88, s3;
	s6 =	simm.s32 @!p1 $0x1082;
	[sflag:s4] =	ssyncset.s32 $0xFFFFF086  }
0x25: {  	[simem:s6], [sflag:s4] =	dma.local [hbm:s3], $0xF7A  }
0x26: {  	[smem:$0x3F9F] =	sst s1;
	(tag) =	ssettag s2;
	_ =	strace s9  }
0x27: {  	s1 =	sld [smem:$0x3FAF]  }
0x28: {  	s2 =	sld [smem:$0x3FB0]  }
0x29: {  	s4 =	sld [smem:$0x3FB2]  }
0x2a: {  	p0 =	seq.s32 s5, $0x0;
	s5 =	sld [smem:$0x3FB3]  }
0x2b: {  	s6 =	sld [smem:$0x3FB4]  }
0x2c: {  	s7 =	sld [smem:$0x3FB5]  }
0x2d: {  	s3 =	simm.s32 $0x108;
	s8 =	sld [smem:$0x3FB6]  }
0x2e: {  	s3 =	simm.s32 @!p0 $0x1082;
	s9 =	sld [smem:$0x3FB7]  }
0x2f: {  	lr =	sadd.s32 s0, s3;
	s0 =	sld [smem:$0x3FAE]  }
0x30: {  	s3 =	sld [smem:$0x3FB1]  }
0x31: {  	[smem:$0x3FBA] =	sst s10  }
0x32: {  	s10 =	sld [smem:$0x3FB8];
	_ =	sdelay $0x3  }
0x33: {  	p0 =	seq.s32 s10, $0x1;
	s10 =	sld [smem:$0x3FBA];
	_ =	sdelay $0x3  }
0x34: {  	[smem:$0x3FBA] =	sst s10  }
0x35: {  	s10 =	sld [smem:$0x3FB9];
	_ =	sdelay $0x3  }
0x36: {  	p1 =	seq.s32 s10, $0x1;
	s10 =	sld [smem:$0x3FBA];
	_ =	sdelay $0x3  }
0x37: {  	[smem:$0x3FBA] =	sst s10  }
0x38: {  	s10 =	sld [smem:$0x3FBB]  }
0x39: {  	_ = 	snop;
	(pc) =	sbr.ind lr, $3  }
0x3a: {  	_ = 	snop  }
0x3b: {  	_ = 	snop  }
0x3c: {  	p2 =	seq.s32 s10, $0x1;
	s10 =	sld [smem:$0x3FBA]  }
0x3d: {  	_ =	shalt  }
0x3e: {  	_ =	shalt  }
0x3f: {  	_ =	shalt  }
0x40: {  	_ =	shalt  }
0x41: {  	_ =	shalt  }
0x42: {  	_ =	shalt  }
0x43: {  	_ =	shalt  }
0x44: {  	_ =	shalt  }
0x45: {  	_ =	shalt  }
0x46: {  	_ =	shalt  }
0x47: {  	_ =	shalt  }
0x48: {  	_ =	shalt  }
0x49: {  	_ =	shalt  }
0x4a: {  	_ =	shalt  }
0x4b: {  	_ =	shalt  }
0x4c: {  	_ =	shalt  }
0x4d: {  	_ =	shalt  }
0x4e: {  	_ =	shalt  }
0x4f: {  	_ =	shalt  }
0x50: {  	_ =	shalt  }
0x51: {  	_ =	shalt  }
0x52: {  	_ =	shalt  }
0x53: {  	_ =	shalt  }
0x54: {  	_ =	shalt  }
0x55: {  	_ =	shalt  }
0x56: {  	_ =	shalt  }
0x57: {  	_ =	shalt  }
0x58: {  	_ =	shalt  }
0x59: {  	_ =	shalt  }
0x5a: {  	_ =	shalt  }
0x5b: {  	_ =	shalt  }
0x5c: {  	_ =	shalt  }
0x5d: {  	_ =	shalt  }
0x5e: {  	_ =	shalt  }
0x5f: {  	_ =	shalt  }
0x60: {  	_ =	shalt  }
0x61: {  	_ =	shalt  }
0x62: {  	_ =	shalt  }
0x63: {  	_ =	shalt  }
0x64: {  	_ =	shalt  }
0x65: {  	_ =	shalt  }
0x66: {  	_ =	shalt  }
0x67: {  	_ =	shalt  }
0x68: {  	_ =	shalt  }
0x69: {  	_ =	shalt  }
0x6a: {  	_ =	shalt  }
0x6b: {  	_ =	shalt  }
0x6c: {  	_ =	shalt  }
0x6d: {  	_ =	shalt  }
0x6e: {  	_ =	shalt  }
0x6f: {  	_ =	shalt  }
0x70: {  	_ =	shalt  }
0x71: {  	_ =	shalt  }
0x72: {  	_ =	shalt  }
0x73: {  	_ =	shalt  }
0x74: {  	_ =	shalt  }
0x75: {  	_ =	shalt  }
0x76: {  	_ =	shalt  }
0x77: {  	_ =	shalt  }
0x78: {  	_ =	shalt  }
0x79: {  	_ =	shalt  }
0x7a: {  	_ =	shalt  }
0x7b: {  	_ =	shalt  }
0x7c: {  	_ =	shalt  }
0x7d: {  	_ =	shalt  }
0x7e: {  	_ =	shalt  }
0x7f: {  	_ =	shalt  }
0x80: {  	_ =	shalt  }
0x81: {  	_ =	shalt  }
0x82: {  	_ =	shalt  }
0x83: {  	_ =	shalt  }
0x84: {  	_ =	shalt  }
0x85: {  	_ =	shalt  }
0x86: {  	_ =	shalt  }
0x87: {  	_ =	shalt  }
.Lfunc_end0:
.L_simem_size_0:
called_computation.2_lowered:
.L_overlay_start_0:
0x88: {  	s2 =	sld [smem:$0x3FD9]  }
0x89: {  	s3 =	sld [smem:$0x3FFE];
	_ =	sdelay $0x1  }
0x8a: {  	s1 =	srdreg.scid  }
0x8b: {  	s0 =	sand.u32 $0x1, s1  }
0x8c: {  	s17 =	sshll.u32 s0, $0xA;
	s2 =	sadd.s32 s3, s2  }
0x8d: {  	s2 =	sadd.s32 s2, s17  }
0x8e: {  	[smem:$0x3FC6] =	sst s2  }
0x8f: {  	_ = 	snop  }
0x90: {  	s2 =	sld [smem:$0x3FD0];
	(tm) =	ssettm $0x1  }
0x91: {  	s18 =	sld [smem:$0x3FFB];
	_ =	sdelay $0x3  }
0x92: {  	_ =	strace s18  }
0x93: {  	s3 =	sld [smem:$0x3FFC];
	_ =	sdelay $0x3  }
0x94: {  	_ =	strace s3  }
0x95: {  	s3 =	sld [smem:$0x3FFD];
	_ =	sdelay $0x3  }
0x96: {  	_ =	strace s3  }
0x97: {  	_ =	strace $0x8FFFFFFF  }
0x98: {  	s19 =	sld [smem:$0x3FDB];
	_ =	sdelay $0x1  }
0x99: {  	s4 =	simm.s32 $_scs_section_size  }
0x9a: {  	s5 =	simm.s32 $_size__tile_overlayer_lowered;
	s6 =	simm.s32 $_tile_overlayer_lowered  }
0x9b: {  	s22 =	simm.s32 $0x1BFF;
	s21 =	sshll.u32 s6, $0x1;
	s3 =	sadd.s32 s4, s19  }
0x9c: {  	s7 =	simm.s32 $0x0;
	s20 =	sshll.u32 s5, $0x1;
	s5 =	sadd.s32 s21, s3  }
0x9d: {  	[timem:s7], [sflag:s22] =	dma.local [hbm:s5], s20  }
0x9e: {  	_ =	swait.ge [sflag:s22], s20  }
0x9f: {  	s4 =	ssub.s32 $0x0, s20;
	[sflag:s22] =	ssyncset.done $0x0  }
0xa0: {  	[sflag:s22] =	ssyncadd.s32 s4;
	_ =	sdelay $0x1  }
0xa1: {  	s23 =	simm.s32 $0x1B8B  }
0xa2: {  	_ =	swait.ge [sflag:s23], $0x1  }
0xa3: {  	[sflag:s23] =	ssyncset.done $0x0  }
0xa4: {  	s25 =	simm.s32 $0x1B8E;
	s24 =	sld [smem:$0x3FFE];
	[sflag:s23] =	ssyncadd.s32 $0xFFFFFFFF  }
0xa5: {  	s26 =	simm.s32 $execute0_lowered;
	[smem:$0x3FD2] =	sst s25  }
0xa6: {  	s5 =	sshll.u32 s26, $0x1;
	_ =	strace $0x8000004C;
	[dreg:$0x1] =	wrdreg $0xFFFFFFFF  }
0xa7: {  	s28 =	simm.s32 $_size_execute0_lowered;
	s3 =	sadd.s32 s3, s5;
	[dreg:$0x0] =	wrdreg $0x0  }
0xa8: {  	s5 =	sshll.u32 s28, $0x1;
	[dreg:$0x2] =	wrdreg s3  }
0xa9: {  	[dreg:$0x3] =	wrdreg s5  }
0xaa: {  	[dreg:$0x4] =	wrdreg $0xC0  }
0xab: {  	_ =	task [dreg:s7], $0x5FFFF  }
0xac: {  	[dreg:$0x1] =	wrdreg $0xFFFFFFFF  }
0xad: {  	[dreg:$0x0] =	wrdreg $0x60  }
0xae: {  	[dreg:$0x2] =	wrdreg s24  }
0xaf: {  	[dreg:$0x3] =	wrdreg s2  }
0xb0: {  	[dreg:$0x4] =	wrdreg $0x0  }
0xb1: {  	[dreg:$0x5] =	wrdreg $0x9  }
0xb2: {  	_ =	task.clear_ibuf [dreg:s7], $0x6FFFF;
	_ =	strace $0x9000004C  }
0xb3: {  	s29 =	simm.s32 $0x9;
	_ =	strace $0x8000004E  }
0xb4: {  	_ =	swait.ge [sflag:s29], $0x1  }
0xb5: {  	[sflag:s29] =	ssyncadd.s32 $0xFFFFFFFF  }
0xb6: {  	_ =	strace $0x9000004E  }
0xb7: {  	_ =	sfence  }
0xb8: {  	s30 =	sld [smem:$0x0];
	_ =	sdelay $0x2  }
0xb9: {  	s31 =	sshll.u32 s1, $0xD;
	s1 =	sshrl.u32 s1, $0x2  }
0xba: {  	s3 =	sand.u32 $0x4000, s31;
	s1 =	sadd.s32 s1, s30  }
0xbb: {  	s0 =	sor.u32 s3, s0;
	s1 =	sshll.u32 s1, $0x11  }
0xbc: {  	s0 =	sor.u32 s1, s0  }
0xbd: {  	s0 =	sadd.s32 $0x8F2B, s0  }
0xbe: {  	[sflag:s0] =	ssyncadd.remote.s32 $0x1  }
0xbf: {  	_ =	sfence.sel $0xFFFF  }
0xc0: {  	[dreg:$0x0] =	wrdreg $0xFFFFFFFF;
	(pc) =	sbr.abs _section_cstart, $3  }
0xc1: {  	[dreg:$0x1] =	wrdreg $0xFFFFFFFF  }
0xc2: {  	_ =	task.clear_ibuf [dreg:s7], $0x2FFFF;
	_ =	strace $0x9FFFFFFF  }
0xc3: {  	(tm) =	ssettm $0x7FFFFFFF  }
tec
execute0_lowered:
.L_overlay_start_1:
0x0: {  	(tag) =	ssettag $0x1  }
0x1: {  	s5 =	rddreg [dreg:$0x0]  }
0x2: {  	s10 =	rddreg [dreg:$0x1];
	s0 =	srdreg.scid  }
0x3: {  	s2 =	rddreg [dreg:$0x2];
	s1 =	stileid.u32  }
0x4: {  	s3 =	simm.s32 $0x0;
	s16 =	simm.s32 $0x14100;
	s7 =	smul.u32 $0x14000, s1  }
0x5: {  	s17 =	simm.s32 $0x1;
	s18 =	simm.s32 $0x0;
	s28 =	smul.u32 $0x50000, s1  }
0x6: {  	s6 =	sand.u32 $0x1, s0;
	s0 =	rddreg [dreg:$0x3];
	s14 =	smul.u32 $0x9D0, s1  }
0x7: {  	[smem:$0x7FF] =	sst s3;
	s4 =	sadd.s32 $0x15000, s5;
	s11 =	smul.u32 $0x9D00, s6  }
0x8: {  	s31 =	sshll.u32 s1, $0x6;
	s8 =	smul.u32 $0x140000, s6;
	s6 =	ssub.s32 $0x2, s6  }
0x9: {  	_ =	strace $0x8000004D;
	s12 =	sshrl.u32 s7, $0x3;
	s29 =	sshrl.u32 s6, $0x1  }
0xa: {  	s30 =	sshrl.u32 s28, $0x2;
	s9 =	sadd.s32 s11, s5;
	s7 =	sadd.s32 s7, s8  }
0xb: {  	s12 =	sadd.s32 s12, s5;
	s13 =	ssub.s32 s6, s29;
	s15 =	sadd.s32 s30, s2  }
0xc: {  	s6 =	sor.u32 $0x1C02, s31;
	s10 =	sadd.s32 s11, s10;
	s7 =	sshrl.u32 s7, $0x3  }
0xd: {  	s9 =	sadd.s32 s14, s9;
	s8 =	smax.u32 s13, $0x1;
	s10 =	sadd.s32 s14, s10  }
0xe: {  	s11 =	sshrl.u32 s15, $0x3;
	s13 =	simm.s32 $0x14000;
	s14 =	simm.s32 $0x14080  }
0xf: {  	s15 =	simm.s32 $0x80;
	s7 =	sadd.s32 s7, s5;
	s5 =	sadd.s32 $0x3D000, s12  }
0x10: {  	s9 =	sadd.s32 $0x1600, s9;
	s12 =	simm.s32 $0x2;
	s7 =	sadd.s32 $0x65000, s7  }
.LBB2_1:
0x11: {  	[spmem:s11], [sflag:s6] =	dma.local [hbm:s5], $0x2800  }
0x12: {  	_ =	swait.ge [sflag:s12], $0x2800  }
0x13: {  	[sflag:s12] =	ssyncset.done $0x0  }
0x14: {  	[sflag:s12] =	ssyncadd.s32 $0xFFFFD800  }
0x15: {  	s19 =	sadd.s32 $0x0, s10;
	[bflag:$0x0] =	sbarrier.arrive $0xFFFF  }
0x16: {  	[tilespmem:s13], [sflag:$0x2] =	stream.linear.gather [hbm4b:s19+s3], $0x80, $0x38;
	[tilespmem:$0x18100] =	vst v63  }
0x17: {  	_ =	swait.ge [sflag:s12], $0x80  }
0x18: {  	[sflag:s12] =	ssyncset.done $0x0  }
0x19: {  	s31 =	sadd.s32 $0x0, s9;
	[sflag:s12] =	ssyncadd.s32 $0xFFFFFF80  }
0x1a: {  	[tilespmem:s14], [sflag:$0x2] =	stream.linear.gather [hbm4b:s31+s3], $0x80, $0x38;
	[tilespmem:$0x18100] =	vst v63  }
0x1b: {  	_ =	swait.ge [sflag:s12], $0x80  }
0x1c: {  	[sflag:s12] =	ssyncset.done $0x0  }
0x1d: {  	[sflag:s12] =	ssyncadd.s32 $0xFFFFFF80  }
0x1e: {  	[tilespmem:s16], [sflag:$0x1] =	stream.indirect.gather [hbm4b:s4+s15], $0x80, s13, s15, $0xb8;
	[tilespmem:$0x18100] =	vst v63  }
0x1f: {  	_ =	swait.ge [sflag:s17], $0x4000  }
0x20: {  	[sflag:s17] =	ssyncset.done $0x0  }
0x21: {  	[sflag:s17] =	ssyncadd.s32 $0xFFFFC000  }
0x22: {  	[spmem:s2] =	stream.indirect.scatter.add.f32 [tilespmem:s16], [sflag:$0x2], $0x80, s14, s15, $0xb8;
	[tilespmem:$0x18100] =	vst v63  }
0x23: {  	_ =	swait.ge [sflag:s12], $0x4000  }
0x24: {  	s20 =	simm.s32 $0x20;
	s19 =	simm.s32 $0x10;
	[sflag:s12] =	ssyncset.done $0x0  }
.LBB2_2:
0x25: {  	s21 =	sadd.s32 s19, s10  }
0x26: {  	[sflag:s12] =	ssyncadd.s32 $0xFFFFC000;
	s22 =	smov.u32 s20;
	s23 =	sadd.s32 $0x10, s20  }
0x27: {  	[tilespmem:s13], [sflag:$0x2] =	stream.linear.gather [hbm4b:s21+s3], $0x80, $0x38;
	[tilespmem:$0x18100] =	vst v63  }
0x28: {  	p0 =	sne.s32 s20, $0x9C0;
	_ =	swait.ge [sflag:s12], $0x80  }
0x29: {  	[sflag:s12] =	ssyncset.done $0x0  }
0x2a: {  	s20 =	sadd.s32 s19, s9;
	s19 =	smov.u32 s22;
	[sflag:s12] =	ssyncadd.s32 $0xFFFFFF80  }
0x2b: {  	[tilespmem:s14], [sflag:$0x2] =	stream.linear.gather [hbm4b:s20+s3], $0x80, $0x38;
	[tilespmem:$0x18100] =	vst v63  }
0x2c: {  	_ =	swait.ge [sflag:s12], $0x80  }
0x2d: {  	[sflag:s12] =	ssyncset.done $0x0  }
0x2e: {  	[sflag:s12] =	ssyncadd.s32 $0xFFFFFF80  }
0x2f: {  	[tilespmem:s16], [sflag:$0x1] =	stream.indirect.gather [hbm4b:s4+s15], $0x80, s13, s15, $0xb8;
	[tilespmem:$0x18100] =	vst v63  }
0x30: {  	_ =	swait.ge [sflag:s17], $0x4000  }
.Ltmp0:
0x31: {  	[sflag:s17] =	ssyncset.done $0x0;
	(pc) =	sbr.rel @p0 .LBB2_2-.Ltmp0, $4  }
0x32: {  	[sflag:s17] =	ssyncadd.s32 $0xFFFFC000  }
0x33: {  	[spmem:s2] =	stream.indirect.scatter.add.f32 [tilespmem:s16], [sflag:$0x2], $0x80, s14, s15, $0xb8;
	[tilespmem:$0x18100] =	vst v63  }
0x34: {  	_ =	swait.ge [sflag:s12], $0x4000  }
0x35: {  	s20 =	smov.u32 s23;
	[sflag:s12] =	ssyncset.done $0x0  }
0x36: {  	s20 =	sadd.s32 s19, s10;
	[sflag:s12] =	ssyncadd.s32 $0xFFFFC000  }
0x37: {  	[tilespmem:s13], [sflag:$0x2] =	stream.linear.gather [hbm4b:s20+s3], $0x80, $0x38;
	[tilespmem:$0x18100] =	vst v63  }
0x38: {  	_ =	swait.ge [sflag:s12], $0x80  }
0x39: {  	[sflag:s12] =	ssyncset.done $0x0  }
0x3a: {  	s31 =	sadd.s32 s19, s9;
	[sflag:s12] =	ssyncadd.s32 $0xFFFFFF80  }
0x3b: {  	[tilespmem:s14], [sflag:$0x2] =	stream.linear.gather [hbm4b:s31+s3], $0x80, $0x38;
	[tilespmem:$0x18100] =	vst v63  }
0x3c: {  	_ =	swait.ge [sflag:s12], $0x80  }
0x3d: {  	[sflag:s12] =	ssyncset.done $0x0  }
0x3e: {  	[sflag:s12] =	ssyncadd.s32 $0xFFFFFF80  }
0x3f: {  	[tilespmem:s16], [sflag:$0x1] =	stream.indirect.gather [hbm4b:s4+s15], $0x80, s13, s15, $0xb8;
	[tilespmem:$0x18100] =	vst v63  }
0x40: {  	_ =	swait.ge [sflag:s17], $0x4000  }
0x41: {  	[sflag:s17] =	ssyncset.done $0x0  }
0x42: {  	[sflag:s17] =	ssyncadd.s32 $0xFFFFC000  }
0x43: {  	[spmem:s2] =	stream.indirect.scatter.add.f32 [tilespmem:s16], [sflag:$0x2], $0x80, s14, s15, $0xb8;
	[tilespmem:$0x18100] =	vst v63  }
0x44: {  	_ =	swait.ge [sflag:s12], $0x4000  }
0x45: {  	s18 =	sadd.s32 $0x1, s18;
	[sflag:s12] =	ssyncset.done $0x0  }
0x46: {  	p0 =	sne.s32 s18, s8;
	[sflag:s12] =	ssyncadd.s32 $0xFFFFC000  }
.Ltmp1:
0x47: {  	[bflag:$0x0] =	sbarrier.arrive $0xFFFF;
	(pc) =	sbr.rel @p0 .LBB2_1-.Ltmp1, $4  }
0x48: {  	[hbm:s7], [sflag:s6] =	dma.local [spmem:s11], $0x2800  }
0x49: {  	_ =	swait.ge [sflag:s12], $0x2800  }
0x4a: {  	[sflag:s12] =	ssyncset.done $0x0  }
0x4b: {  	[sflag:s12] =	ssyncadd.s32 $0xFFFFD800  }
0x4c: {  	_ =	sfence.sel $0x180000  }
0x4d: {  	[bflag:$0x0] =	sbarrier.arrive $0xFFFF  }
0x4e: {  	p0 =	sne.s32 s1, $0x0;
	_ =	strace $0x9000004D  }
0x4f: {  	s0 =	sadd.s32 @!p0 $0x100000, s0;
	[bflag:$0x2] =	sbarrier.arrive $0xFFFF  }
0x50: {  	[sflag:s0] =	ssyncadd.tile.s32 @!p0 $0x1;
	_ =	shalt  }
.Lfunc_end2:
_tile_overlayer_lowered:
.L_overlay_start_2:
0x51: {  	(tag) =	ssettag $0x2  }
0x52: {  	s0 =	rddreg [dreg:$0x0];
	s2 =	stileid.u32  }
0x53: {  	s1 =	rddreg [dreg:$0x1];
	p0 =	sne.s32 s2, $0x0  }
0x54: {  	s3 =	rddreg [dreg:$0x2];
	[bflag:$0x3] =	sbarrier.arrive $0xFFFF;
	s2 =	simm.s32 @!p0 $0x1C02  }
0x55: {  	[timem:s3], [sflag:s2] =	dma.local @!p0 [hbm:s0], s1  }
0x56: {  	s0 =	simm.s32 @!p0 $0x2  }
0x57: {  	_ =	swait.ge @!p0 [sflag:s0], s1  }
0x58: {  	s1 =	ssub.s32 @!p0 $0x0, s1;
	[sflag:s0] =	ssyncset.done @!p0 $0x0  }
0x59: {  	[sflag:s0] =	ssyncadd.s32 @!p0 s1  }
0x5a: {  	[bflag:$0x3] =	sbarrier.arrive $0xFFFF  }
0x5b: {  	_ =	shalt  }

// kernel: kernel.8.cloned.1.call-start
scs
__scs_entry_jumppad:
0x0: {  	(pc) =	sbr.rel $0x88, $3  }
0x1: {  	(tag) =	ssettag $0x0;
	lr =	simm.s32 $0x1  }
0x2: {  	[smem:$0x3F9F] =	sst lr;
	_ =	strace $0xD0000000  }
0x3: {  	_ = 	snop  }
0x4: {  	_ = 	snop  }
0x5: {  	_ = 	snop  }
0x6: {  	_ = 	snop  }
0x7: {  	_ = 	snop  }
__scs_overlays_trampoline_lowered:
0x8: {  	[smem:$0x3FAE] =	sst s0  }
0x9: {  	[smem:$0x3FAF] =	sst s1  }
0xa: {  	[smem:$0x3FB0] =	sst s2  }
0xb: {  	[smem:$0x3FB1] =	sst s3  }
0xc: {  	[smem:$0x3FB2] =	sst s4  }
0xd: {  	[smem:$0x3FB3] =	sst s5  }
0xe: {  	[smem:$0x3FB4] =	sst s6  }
0xf: {  	[smem:$0x3FB5] =	sst s7  }
0x10: {  	[smem:$0x3FB6] =	sst s8  }
0x11: {  	[smem:$0x3FB7] =	sst s9;
	s0 =	simm.s32 @!p0 $0x0  }
0x12: {  	s1 =	sld [smem:$0x3F9D];
	s0 =	simm.s32 @p0 $0x1  }
0x13: {  	[smem:$0x3FB8] =	sst s0;
	s0 =	simm.s32 @!p1 $0x0  }
0x14: {  	s2 =	sld [smem:$0x3F9C];
	s0 =	simm.s32 @p1 $0x1  }
0x15: {  	[smem:$0x3FB9] =	sst s0;
	s0 =	simm.s32 @!p2 $0x0  }
0x16: {  	s3 =	sld [smem:$0x3FDB];
	s0 =	simm.s32 @p2 $0x1  }
0x17: {  	s4 =	simm.s32 $0x1BF5;
	[smem:$0x3FBB] =	sst s0  }
0x18: {  	s0 =	sld [smem:$0x3F9E];
	_ =	swait.ge [sflag:s4], $0x0  }
0x19: {  	s7 =	sld [smem:$0x3F9F]  }
0x1a: {  	s8 =	sadd.s32 $0xFFFFE003, lr  }
0x1b: {  	s9 =	sadd.s32 $0xFFFFFEF7, lr;
	s5 =	simm.s32 $0xFFFFFFFF;
	p2 =	slt.u32 s8, $0xFFFFF086  }
0x1c: {  	p1 =	slt.u32 s9, $0xF7A;
	s5 =	simm.s32 @!p2 $0x0  }
0x1d: {  	s5 =	simm.s32 @p1 $0x1;
	p0 =	seq.s32 s7, s2  }
0x1e: {  	s7 =	smul.u32 @!p0 $0xF7A, s2;
	p2 =	seq.s32 @!p0 s5, $0x0  }
0x1f: {  	s9 =	smul.u32 $0xF7A, s1;
	s8 =	simm.s32 @!p0 $0x1BF5;
	p2 =	por !p2, p0  }
0x20: {  	[sflag:s8] =	ssyncset.s32 @!p0 $0xFFFFF086;
	s6 =	sadd.s32 @!p0 s3, s7;
	s7 =	simm.s32 @!p0 $0x108  }
0x21: {  	s3 =	sadd.s32 s3, s9;
	s6 =	sadd.s32 @!p0 $0x88, s6;
	s7 =	simm.s32 @p2 $0x1082  }
0x22: {  	[simem:s7], [sflag:s8] =	dma.local @!p0 [hbm:s6], $0xF7A  }
0x23: {  	s9 =	sor.u32 $0xD0000000, s2;
	s6 =	simm.s32 $0x108;
	_ =	swait.ge @!p0 [sflag:s8], $0x0  }
0x24: {  	s3 =	sadd.s32 $0x88, s3;
	s6 =	simm.s32 @!p1 $0x1082;
	[sflag:s4] =	ssyncset.s32 $0xFFFFF086  }
0x25: {  	[simem:s6], [sflag:s4] =	dma.local [hbm:s3], $0xF7A  }
0x26: {  	[smem:$0x3F9F] =	sst s1;
	(tag) =	ssettag s2;
	_ =	strace s9  }
0x27: {  	s1 =	sld [smem:$0x3FAF]  }
0x28: {  	s2 =	sld [smem:$0x3FB0]  }
0x29: {  	s4 =	sld [smem:$0x3FB2]  }
0x2a: {  	p0 =	seq.s32 s5, $0x0;
	s5 =	sld [smem:$0x3FB3]  }
0x2b: {  	s6 =	sld [smem:$0x3FB4]  }
0x2c: {  	s7 =	sld [smem:$0x3FB5]  }
0x2d: {  	s3 =	simm.s32 $0x108;
	s8 =	sld [smem:$0x3FB6]  }
0x2e: {  	s3 =	simm.s32 @!p0 $0x1082;
	s9 =	sld [smem:$0x3FB7]  }
0x2f: {  	lr =	sadd.s32 s0, s3;
	s0 =	sld [smem:$0x3FAE]  }
0x30: {  	s3 =	sld [smem:$0x3FB1]  }
0x31: {  	[smem:$0x3FBA] =	sst s10  }
0x32: {  	s10 =	sld [smem:$0x3FB8];
	_ =	sdelay $0x3  }
0x33: {  	p0 =	seq.s32 s10, $0x1;
	s10 =	sld [smem:$0x3FBA];
	_ =	sdelay $0x3  }
0x34: {  	[smem:$0x3FBA] =	sst s10  }
0x35: {  	s10 =	sld [smem:$0x3FB9];
	_ =	sdelay $0x3  }
0x36: {  	p1 =	seq.s32 s10, $0x1;
	s10 =	sld [smem:$0x3FBA];
	_ =	sdelay $0x3  }
0x37: {  	[smem:$0x3FBA] =	sst s10  }
0x38: {  	s10 =	sld [smem:$0x3FBB]  }
0x39: {  	_ = 	snop;
	(pc) =	sbr.ind lr, $3  }
0x3a: {  	_ = 	snop  }
0x3b: {  	_ = 	snop  }
0x3c: {  	p2 =	seq.s32 s10, $0x1;
	s10 =	sld [smem:$0x3FBA]  }
0x3d: {  	_ =	shalt  }
0x3e: {  	_ =	shalt  }
0x3f: {  	_ =	shalt  }
0x40: {  	_ =	shalt  }
0x41: {  	_ =	shalt  }
0x42: {  	_ =	shalt  }
0x43: {  	_ =	shalt  }
0x44: {  	_ =	shalt  }
0x45: {  	_ =	shalt  }
0x46: {  	_ =	shalt  }
0x47: {  	_ =	shalt  }
0x48: {  	_ =	shalt  }
0x49: {  	_ =	shalt  }
0x4a: {  	_ =	shalt  }
0x4b: {  	_ =	shalt  }
0x4c: {  	_ =	shalt  }
0x4d: {  	_ =	shalt  }
0x4e: {  	_ =	shalt  }
0x4f: {  	_ =	shalt  }
0x50: {  	_ =	shalt  }
0x51: {  	_ =	shalt  }
0x52: {  	_ =	shalt  }
0x53: {  	_ =	shalt  }
0x54: {  	_ =	shalt  }
0x55: {  	_ =	shalt  }
0x56: {  	_ =	shalt  }
0x57: {  	_ =	shalt  }
0x58: {  	_ =	shalt  }
0x59: {  	_ =	shalt  }
0x5a: {  	_ =	shalt  }
0x5b: {  	_ =	shalt  }
0x5c: {  	_ =	shalt  }
0x5d: {  	_ =	shalt  }
0x5e: {  	_ =	shalt  }
0x5f: {  	_ =	shalt  }
0x60: {  	_ =	shalt  }
0x61: {  	_ =	shalt  }
0x62: {  	_ =	shalt  }
0x63: {  	_ =	shalt  }
0x64: {  	_ =	shalt  }
0x65: {  	_ =	shalt  }
0x66: {  	_ =	shalt  }
0x67: {  	_ =	shalt  }
0x68: {  	_ =	shalt  }
0x69: {  	_ =	shalt  }
0x6a: {  	_ =	shalt  }
0x6b: {  	_ =	shalt  }
0x6c: {  	_ =	shalt  }
0x6d: {  	_ =	shalt  }
0x6e: {  	_ =	shalt  }
0x6f: {  	_ =	shalt  }
0x70: {  	_ =	shalt  }
0x71: {  	_ =	shalt  }
0x72: {  	_ =	shalt  }
0x73: {  	_ =	shalt  }
0x74: {  	_ =	shalt  }
0x75: {  	_ =	shalt  }
0x76: {  	_ =	shalt  }
0x77: {  	_ =	shalt  }
0x78: {  	_ =	shalt  }
0x79: {  	_ =	shalt  }
0x7a: {  	_ =	shalt  }
0x7b: {  	_ =	shalt  }
0x7c: {  	_ =	shalt  }
0x7d: {  	_ =	shalt  }
0x7e: {  	_ =	shalt  }
0x7f: {  	_ =	shalt  }
0x80: {  	_ =	shalt  }
0x81: {  	_ =	shalt  }
0x82: {  	_ =	shalt  }
0x83: {  	_ =	shalt  }
0x84: {  	_ =	shalt  }
0x85: {  	_ =	shalt  }
0x86: {  	_ =	shalt  }
0x87: {  	_ =	shalt  }
.Lfunc_end0:
.L_simem_size_0:
called_computation_lowered:
.L_overlay_start_0:
0x88: {  	s2 =	sld [smem:$0x3FD9]  }
0x89: {  	s3 =	sld [smem:$0x3FFE];
	_ =	sdelay $0x1  }
0x8a: {  	s1 =	srdreg.scid  }
0x8b: {  	s0 =	sand.u32 $0x1, s1  }
0x8c: {  	s16 =	sshll.u32 s0, $0xA;
	s2 =	sadd.s32 s3, s2  }
0x8d: {  	s2 =	sadd.s32 s2, s16  }
0x8e: {  	[smem:$0x3FC6] =	sst s2  }
0x8f: {  	_ = 	snop  }
0x90: {  	(tm) =	ssettm $0x1  }
0x91: {  	s17 =	sld [smem:$0x3FFB];
	_ =	sdelay $0x3  }
0x92: {  	_ =	strace s17  }
0x93: {  	s2 =	sld [smem:$0x3FFC];
	_ =	sdelay $0x3  }
0x94: {  	_ =	strace s2  }
0x95: {  	s2 =	sld [smem:$0x3FFD];
	_ =	sdelay $0x3  }
0x96: {  	_ =	strace s2  }
0x97: {  	_ =	strace $0x8FFFFFFF  }
0x98: {  	s18 =	sld [smem:$0x3FDB];
	_ =	sdelay $0x1  }
0x99: {  	s19 =	simm.s32 $_scs_section_size  }
0x9a: {  	s4 =	simm.s32 $_size__tile_overlayer_lowered;
	s5 =	simm.s32 $_tile_overlayer_lowered  }
0x9b: {  	s22 =	simm.s32 $0x1BFF;
	s21 =	sshll.u32 s5, $0x1;
	s2 =	sadd.s32 s19, s18  }
0x9c: {  	s6 =	simm.s32 $0x0;
	s20 =	sshll.u32 s4, $0x1;
	s4 =	sadd.s32 s21, s2  }
0x9d: {  	[timem:s6], [sflag:s22] =	dma.local [hbm:s4], s20  }
0x9e: {  	_ =	swait.ge [sflag:s22], s20  }
0x9f: {  	s3 =	ssub.s32 $0x0, s20;
	[sflag:s22] =	ssyncset.done $0x0  }
0xa0: {  	[sflag:s22] =	ssyncadd.s32 s3;
	_ =	sdelay $0x1  }
0xa1: {  	s23 =	simm.s32 $0x1B8B  }
0xa2: {  	_ =	swait.ge [sflag:s23], $0x1  }
0xa3: {  	[sflag:s23] =	ssyncset.done $0x0  }
0xa4: {  	s25 =	simm.s32 $0x1B8E;
	s24 =	sld [smem:$0x3FFE];
	[sflag:s23] =	ssyncadd.s32 $0xFFFFFFFF  }
0xa5: {  	s26 =	simm.s32 $execute0_lowered;
	[smem:$0x3FD2] =	sst s25  }
0xa6: {  	s4 =	sshll.u32 s26, $0x1;
	_ =	strace $0x80000046;
	[dreg:$0x1] =	wrdreg $0xFFFFFFFF  }
0xa7: {  	s28 =	simm.s32 $_size_execute0_lowered;
	s2 =	sadd.s32 s2, s4;
	[dreg:$0x0] =	wrdreg $0x0  }
0xa8: {  	s4 =	sshll.u32 s28, $0x1;
	[dreg:$0x2] =	wrdreg s2  }
0xa9: {  	[dreg:$0x3] =	wrdreg s4  }
0xaa: {  	[dreg:$0x4] =	wrdreg $0xC0  }
0xab: {  	_ =	task [dreg:s6], $0x5FFFF  }
0xac: {  	[dreg:$0x1] =	wrdreg $0xFFFFFFFF  }
0xad: {  	[dreg:$0x0] =	wrdreg $0x60  }
0xae: {  	[dreg:$0x2] =	wrdreg s24  }
0xaf: {  	[dreg:$0x3] =	wrdreg $0x0  }
0xb0: {  	[dreg:$0x4] =	wrdreg $0x9  }
0xb1: {  	_ =	task.clear_ibuf [dreg:s6], $0x5FFFF;
	_ =	strace $0x90000046  }
0xb2: {  	s29 =	simm.s32 $0x9;
	_ =	strace $0x80000048  }
0xb3: {  	_ =	swait.ge [sflag:s29], $0x1  }
0xb4: {  	[sflag:s29] =	ssyncadd.s32 $0xFFFFFFFF  }
0xb5: {  	_ =	strace $0x90000048  }
0xb6: {  	_ =	sfence  }
0xb7: {  	s30 =	sld [smem:$0x0];
	_ =	sdelay $0x2  }
0xb8: {  	s31 =	sshll.u32 s1, $0xD;
	s1 =	sshrl.u32 s1, $0x2  }
0xb9: {  	s3 =	sand.u32 $0x4000, s31;
	s1 =	sadd.s32 s1, s30  }
0xba: {  	s0 =	sor.u32 s3, s0;
	s1 =	sshll.u32 s1, $0x11  }
0xbb: {  	s0 =	sor.u32 s1, s0  }
0xbc: {  	s0 =	sadd.s32 $0x8F2B, s0  }
0xbd: {  	[sflag:s0] =	ssyncadd.remote.s32 $0x1  }
0xbe: {  	_ =	sfence.sel $0xFFFF  }
0xbf: {  	[dreg:$0x0] =	wrdreg $0xFFFFFFFF;
	(pc) =	sbr.abs _section_cstart, $3  }
0xc0: {  	[dreg:$0x1] =	wrdreg $0xFFFFFFFF  }
0xc1: {  	_ =	task.clear_ibuf [dreg:s6], $0x2FFFF;
	_ =	strace $0x9FFFFFFF  }
0xc2: {  	(tm) =	ssettm $0x7FFFFFFF  }
0xc3: {  	_ =	shalt  }
tec
execute0_lowered:
.L_overlay_start_1:
0x0: {  	(tag) =	ssettag $0x1  }
0x1: {  	s4 =	rddreg [dreg:$0x0]  }
0x2: {  	s0 =	srdreg.scid;
	s2 =	rddreg [dreg:$0x1]  }
0x3: {  	s1 =	stileid.u32;
	s3 =	simm.s32 $0x0;
	s13 =	simm.s32 $0x300  }
0x4: {  	s14 =	simm.s32 $0x20;
	s15 =	simm.s32 $0x10;
	s7 =	smul.u32 $0x500, s1  }
0x5: {  	s5 =	sand.u32 $0x1, s0;
	s0 =	rddreg [dreg:$0x2];
	s8 =	smul.u32 $0x280, s1  }
0x6: {  	s16 =	simm.s32 $0x0;
	[smem:$0x7FF] =	sst s3;
	s11 =	smul.u32 $0x9D0, s1  }
0x7: {  	s30 =	sshll.u32 s1, $0x6;
	s6 =	smul.u32 $0x9D00, s5;
	s9 =	sshll.u32 s5, $0x7  }
0x8: {  	_ =	strace $0x80000047;
	s5 =	ssub.s32 $0x2, s5;
	s25 =	sor.u32 s9, s7  }
0x9: {  	s26 =	sshrl.u32 s8, $0x3;
	s28 =	sshrl.u32 s5, $0x1;
	s12 =	sadd.s32 s8, s2  }
0xa: {  	s10 =	sadd.s32 s6, s4;
	s6 =	sshrl.u32 s25, $0x3;
	s7 =	sadd.s32 s26, s4  }
0xb: {  	s29 =	ssub.s32 s5, s28;
	s5 =	sor.u32 $0x1C01, s30;
	s9 =	sshrl.u32 s12, $0x3  }
0xc: {  	s12 =	simm.s32 $0x80;
	s6 =	sadd.s32 s6, s4;
	s4 =	sadd.s32 $0x15000, s7  }
0xd: {  	s7 =	smax.u32 s29, $0x1;
	s31 =	sadd.s32 s11, s10;
	s10 =	simm.s32 $0x1  }
0xe: {  	v0 =	vimm.f32 $1.000000000e+00;
	s11 =	simm.s32 $0x280;
	s6 =	sadd.s32 $0x15600, s6;
	s8 =	sadd.s32 $0x1600, s31  }
.LBB2_1:
0xf: {  	[tilespmem:$0x300] =	vst v0  }
0x10: {  	[tilespmem:$0x310] =	vst v0  }
0x11: {  	[tilespmem:$0x320] =	vst v0  }
0x12: {  	[tilespmem:$0x330] =	vst v0  }
0x13: {  	[tilespmem:$0x340] =	vst v0  }
0x14: {  	[tilespmem:$0x350] =	vst v0  }
0x15: {  	[tilespmem:$0x360] =	vst v0  }
0x16: {  	[tilespmem:$0x370] =	vst v0  }
0x17: {  	[spmem:s9], [sflag:s5] =	dma.local [hbm:s4], $0x50  }
0x18: {  	_ =	swait.ge [sflag:s10], $0x50  }
0x19: {  	[sflag:s10] =	ssyncset.done $0x0  }
0x1a: {  	[sflag:s10] =	ssyncadd.s32 $0xFFFFFFB0  }
0x1b: {  	s17 =	sadd.s32 $0x0, s8;
	[bflag:$0x0] =	sbarrier.arrive $0xFFFF  }
0x1c: {  	[tilespmem:s11], [sflag:$0x1] =	stream.linear.gather [hbm4b:s17+s3], $0x80, $0x38;
	[tilespmem:$0x380] =	vst v63  }
0x1d: {  	_ =	swait.ge [sflag:s10], $0x80  }
0x1e: {  	[sflag:s10] =	ssyncset.done $0x0  }
0x1f: {  	[sflag:s10] =	ssyncadd.s32 $0xFFFFFF80  }
0x20: {  	[spmem:s2] =	stream.indirect.scatter.add.f32 [tilespmem:s13], [sflag:$0x1], $0x1, s11, s12, $0xb8;
	[tilespmem:$0x380] =	vst v63  }
0x21: {  	_ =	swait.ge [sflag:s10], $0x80  }
0x22: {  	s18 =	simm.s32 $0x20;
	s17 =	simm.s32 $0x10;
	[sflag:s10] =	ssyncset.done $0x0  }
.LBB2_2:
0x23: {  	s19 =	sadd.s32 s17, s8  }
0x24: {  	[sflag:s10] =	ssyncadd.s32 $0xFFFFFF80;
	s17 =	smov.u32 s18;
	s20 =	sadd.s32 $0x10, s18  }
0x25: {  	[tilespmem:s11], [sflag:$0x1] =	stream.linear.gather [hbm4b:s19+s3], $0x80, $0x38;
	[tilespmem:$0x380] =	vst v63  }
0x26: {  	p0 =	sne.s32 s18, $0x9C0;
	_ =	swait.ge [sflag:s10], $0x80  }
.Ltmp0:
0x27: {  	[sflag:s10] =	ssyncset.done $0x0;
	(pc) =	sbr.rel @p0 .LBB2_2-.Ltmp0, $4  }
0x28: {  	[sflag:s10] =	ssyncadd.s32 $0xFFFFFF80  }
0x29: {  	[spmem:s2] =	stream.indirect.scatter.add.f32 [tilespmem:s13], [sflag:$0x1], $0x1, s11, s12, $0xb8;
	[tilespmem:$0x380] =	vst v63  }
0x2a: {  	_ =	swait.ge [sflag:s10], $0x80  }
0x2b: {  	s18 =	smov.u32 s20;
	[sflag:s10] =	ssyncset.done $0x0  }
0x2c: {  	s17 =	sadd.s32 s17, s8;
	[sflag:s10] =	ssyncadd.s32 $0xFFFFFF80  }
0x2d: {  	[tilespmem:s11], [sflag:$0x1] =	stream.linear.gather [hbm4b:s17+s3], $0x80, $0x38;
	[tilespmem:$0x380] =	vst v63  }
0x2e: {  	_ =	swait.ge [sflag:s10], $0x80  }
0x2f: {  	[sflag:s10] =	ssyncset.done $0x0  }
0x30: {  	[sflag:s10] =	ssyncadd.s32 $0xFFFFFF80  }
0x31: {  	[spmem:s2] =	stream.indirect.scatter.add.f32 [tilespmem:s13], [sflag:$0x1], $0x1, s11, s12, $0xb8;
	[tilespmem:$0x380] =	vst v63  }
0x32: {  	_ =	swait.ge [sflag:s10], $0x80  }
0x33: {  	s16 =	sadd.s32 $0x1, s16;
	[sflag:s10] =	ssyncset.done $0x0  }
0x34: {  	p0 =	sne.s32 s16, s7;
	[sflag:s10] =	ssyncadd.s32 $0xFFFFFF80  }
.Ltmp1:
0x35: {  	[bflag:$0x0] =	sbarrier.arrive $0xFFFF;
	(pc) =	sbr.rel @p0 .LBB2_1-.Ltmp1, $4  }
0x36: {  	[hbm:s6@s14], [sflag:s5] =	dma.strided [spmem:s9@s15], $0x50, s10, $0x10   }
0x37: {  	_ =	swait.ge [sflag:s10], $0x50  }
0x38: {  	[sflag:s10] =	ssyncset.done $0x0  }
0x39: {  	[sflag:s10] =	ssyncadd.s32 $0xFFFFFFB0  }
0x3a: {  	_ =	sfence.sel $0x180000  }
0x3b: {  	[bflag:$0x0] =	sbarrier.arrive $0xFFFF  }
0x3c: {  	p0 =	sne.s32 s1, $0x0;
	_ =	strace $0x90000047  }
0x3d: {  	s0 =	sadd.s32 @!p0 $0x100000, s0;
	[bflag:$0x2] =	sbarrier.arrive $0xFFFF  }
0x3e: {  	[sflag:s0] =	ssyncadd.tile.s32 @!p0 $0x1;
	_ =	shalt  }
.Lfunc_end2:
_tile_overlayer_lowered:
.L_overlay_start_2:
0x3f: {  	(tag) =	ssettag $0x2  }
0x40: {  	s0 =	rddreg [dreg:$0x0];
	s2 =	stileid.u32  }
0x41: {  	s1 =	rddreg [dreg:$0x1];
	p0 =	sne.s32 s2, $0x0  }
0x42: {  	s3 =	rddreg [dreg:$0x2];
	[bflag:$0x3] =	sbarrier.arrive $0xFFFF;
	s2 =	simm.s32 @!p0 $0x1C01  }
0x43: {  	[timem:s3], [sflag:s2] =	dma.local @!p0 [hbm:s0], s1  }
0x44: {  	s0 =	simm.s32 @!p0 $0x1  }
0x45: {  	_ =	swait.ge @!p0 [sflag:s0], s1  }
0x46: {  	s1 =	ssub.s32 @!p0 $0x0, s1;
	[sflag:s0] =	ssyncset.done @!p0 $0x0  }
0x47: {  	[sflag:s0] =	ssyncadd.s32 @!p0 s1  }
0x48: {  	[bflag:$0x3] =	sbarrier.arrive $0xFFFF  }
0x49: {  	_ =	shalt  }

</sc_bundles>
